<compile_context>
chip_gen: v7x
topology: tpu7x:2x2x1
jax: 0.10.2.dev20260603
libtpu: 0.0.44.dev20260713+nightly
codegen_flags: <defaults>
</compile_context>

<pallas_src>
import functools

import jax
import jax.numpy as jnp
from jax.experimental import pallas as pl
from jax.experimental.pallas import tpu as pltpu

_IOU_THRESH = 0.5
_SCORE_THRESH = 0.05
_B = 256


def _nms_tiles_kernel(br8, x1r, y1r, x2r, y2r, keep_out, survr, *,
                      num_tiles):
    B = _B
    f32 = jnp.float32
    hi = jax.lax.Precision.HIGHEST

    survr[...] = jnp.zeros_like(survr)

    row_i = jax.lax.broadcasted_iota(jnp.int32, (B, B), 0)
    col_j = jax.lax.broadcasted_iota(jnp.int32, (B, B), 1)
    strict_lower = (row_i > col_j).astype(f32)
    lower_incl = (row_i >= col_j).astype(f32)
    eye = (row_i == col_j).astype(f32)
    iota_lane = jax.lax.broadcasted_iota(jnp.int32, (1, B), 1).astype(f32)

    def tile_body(t, count):
        x1 = x1r[pl.ds(t, 1), :]
        y1 = y1r[pl.ds(t, 1), :]
        x2 = x2r[pl.ds(t, 1), :]
        y2 = y2r[pl.ds(t, 1), :]
        area = (x2 - x1) * (y2 - y1)

        bt = br8[pl.ds(t * B, B), :]
        x1c, y1c = bt[:, 0:1], bt[:, 1:2]
        x2c, y2c = bt[:, 2:3], bt[:, 3:4]
        k0c = bt[:, 4:5]
        areac = (x2c - x1c) * (y2c - y1c)

        x1cb = jnp.broadcast_to(x1c, (B, B))
        y1cb = jnp.broadcast_to(y1c, (B, B))
        x2cb = jnp.broadcast_to(x2c, (B, B))
        y2cb = jnp.broadcast_to(y2c, (B, B))
        areacb = jnp.broadcast_to(areac, (B, B))

        nprev4 = (count + 4 * B - 1) // (4 * B)

        def blk_iou(q):
            sv = survr[:, pl.ds(pl.multiple_of(q * B, B), B)]
            sx1, sy1 = sv[0:1, :], sv[1:2, :]
            sx2, sy2 = sv[2:3, :], sv[3:4, :]
            sarea = sv[4:5, :]
            xx1 = jnp.maximum(x1cb, sx1)
            yy1 = jnp.maximum(y1cb, sy1)
            xx2 = jnp.minimum(x2cb, sx2)
            yy2 = jnp.minimum(y2cb, sy2)
            inter = jnp.maximum(xx2 - xx1, 0.0) * jnp.maximum(yy2 - yy1, 0.0)
            return inter / (areacb + sarea - inter + 1e-9)

        def cross_body(p, acc):
            m0 = jnp.maximum(blk_iou(4 * p), blk_iou(4 * p + 1))
            m1 = jnp.maximum(blk_iou(4 * p + 2), blk_iou(4 * p + 3))
            m = jnp.maximum(m0, m1)
            hf = jnp.maximum(m[:, :B // 2], m[:, B // 2:])
            return jnp.maximum(acc, hf)

        iou_acc = jax.lax.fori_loop(0, nprev4, cross_body,
                                    jnp.zeros((B, B // 2), f32))
        cross = jnp.max(iou_acc, axis=1, keepdims=True)
        k0m = jnp.where(cross > _IOU_THRESH, 0.0, k0c)

        xx1 = jnp.maximum(x1cb, x1)
        yy1 = jnp.maximum(y1cb, y1)
        xx2 = jnp.minimum(x2cb, x2)
        yy2 = jnp.minimum(y2cb, y2)
        inter = jnp.maximum(xx2 - xx1, 0.0) * jnp.maximum(yy2 - yy1, 0.0)
        iou = inter / (areacb + area - inter + 1e-9)
        mbt = (iou > _IOU_THRESH).astype(f32) * strict_lower

        def fp_cond(c):
            return c[1]

        def fp_body(c):
            k, _ = c
            supp = jnp.dot(mbt, k, preferred_element_type=f32)
            kn = jnp.where(supp > 0.5, 0.0, k0m)
            changed = jnp.sum(jnp.abs(kn - k)) > 0.0
            return kn, changed

        k, _ = jax.lax.while_loop(fp_cond, fp_body,
                                  (k0m, jnp.bool_(True)))

        incl = jnp.dot(lower_incl, k, preferred_element_type=f32)
        pos = incl - k
        onehot = ((pos == iota_lane) & (k > 0.5)).astype(f32)
        btt = jnp.concatenate([x1, y1, x2, y2, area], axis=0)
        compact = jnp.dot(btt, onehot, precision=hi,
                          preferred_element_type=f32)
        survr[0:5, pl.ds(pl.multiple_of(count, 128), B)] = compact

        k_row = jax.lax.dot_general(k, eye, (((0,), (0,)), ((), ())),
                                    preferred_element_type=f32)
        keep_out[pl.ds(t, 1), :] = k_row

        ksum = jnp.sum(k).astype(jnp.int32)
        return count + ((ksum + 127) // 128) * 128

    jax.lax.fori_loop(0, num_tiles, tile_body, jnp.int32(0))


def _nms_sorted(bp8, planes, num_tiles):
    nps = num_tiles * _B + 128 * num_tiles + 8 * _B
    nps = ((nps + 127) // 128) * 128
    fn = pl.pallas_call(
        functools.partial(_nms_tiles_kernel, num_tiles=num_tiles),
        out_shape=jax.ShapeDtypeStruct((num_tiles, _B), jnp.float32),
        scratch_shapes=[pltpu.VMEM((8, nps), jnp.float32)],
    )
    return fn(bp8, planes[0], planes[1], planes[2], planes[3])


def kernel(boxes, scores):
    n = boxes.shape[0]
    num_tiles = (n + _B - 1) // _B
    npad = num_tiles * _B

    order = jnp.argsort(-scores)
    b = jnp.take(boxes, order, axis=0)
    s = jnp.take(scores, order, axis=0)

    k0 = (s > _SCORE_THRESH).astype(jnp.float32)
    pad = npad - n
    bp = jnp.pad(b, ((0, pad), (0, 0)))
    k0p = jnp.pad(k0, (0, pad))
    bp8 = jnp.concatenate(
        [bp, k0p[:, None], jnp.zeros((npad, 3), jnp.float32)], axis=1)
    planes = bp.T.reshape(4, num_tiles, _B)

    keep_sorted = _nms_sorted(bp8, planes, num_tiles).reshape(-1)[:n]
    keep = jnp.zeros((n,), jnp.float32).at[order].set(keep_sorted)
    return jnp.concatenate(
        [boxes * keep[:, None], (scores * keep)[:, None]], axis=1)

# --- scband reference (transcript-rebuilt; emitter-appended) ---
"""Pipeline reference for scband-yolo-model-15040975471113 (READ-ONLY COPY).

The authoritative reference and input builder live on the scoring server;
editing this copy changes nothing except your own understanding.
"""

import jax, jax.numpy as jnp
import numpy as np

IOU_THRESH = 0.5
SCORE_THRESH = 0.05


def setup_inputs(seed: int = 0) -> dict:
    key = jax.random.key(seed)
    k1, k2, k3 = jax.random.split(key, 3)
    N = 20000
    # Valid xyxy boxes inside a 512x512 image (YOLO decode output scale)
    cxcy = jax.random.uniform(k1, (N, 2), minval=0.0, maxval=512.0)
    wh = jax.random.uniform(k2, (N, 2), minval=4.0, maxval=128.0)
    boxes = jnp.concatenate([cxcy - wh / 2.0, cxcy + wh / 2.0], axis=1).astype(jnp.float32)
    scores = jax.random.uniform(k3, (N,), dtype=jnp.float32)
    return {"boxes": boxes, "scores": scores}


def reference(boxes, scores):
    # Faithful greedy NMS as used in YOLO decode_nms: sort by score desc,
    # walk the list, suppress later boxes with IoU > threshold.
    N = boxes.shape[0]
    order = jnp.argsort(-scores)
    b = jnp.take(boxes, order, axis=0)
    s = jnp.take(scores, order, axis=0)
    area = (b[:, 2] - b[:, 0]) * (b[:, 3] - b[:, 1])
    idx = jnp.arange(N)
    init_keep = s > SCORE_THRESH

    def body(i, keep):
        bi = b[i]
        xx1 = jnp.maximum(bi[0], b[:, 0])
        yy1 = jnp.maximum(bi[1], b[:, 1])
        xx2 = jnp.minimum(bi[2], b[:, 2])
        yy2 = jnp.minimum(bi[3], b[:, 3])
        inter = jnp.clip(xx2 - xx1, 0.0) * jnp.clip(yy2 - yy1, 0.0)
        iou = inter / (area[i] + area - inter + 1e-9)
        suppress = (iou > IOU_THRESH) & (idx > i) & keep[i]
        return keep & (~suppress)

    keep_sorted = jax.lax.fori_loop(0, N, body, init_keep)
    # scatter keep mask back to original box order
    keep = jnp.zeros((N,), dtype=bool).at[order].set(keep_sorted)
    kf = keep.astype(boxes.dtype)
    out = jnp.concatenate([boxes * kf[:, None], (scores * kf)[:, None]], axis=1)
    return out

if __name__ == "__main__":
    import jax
    _d = setup_inputs()
    print(jax.jit(kernel)(*tuple(_d.values())))

</pallas_src>

<mosaic_0001>
module attributes {stable_mosaic.version = 14 : i64} {
  func.func @_nms_tiles_kernel(%arg0: memref<20224x8xf32, #tpu.memory_space<vmem>>, %arg1: memref<79x256xf32, #tpu.memory_space<vmem>>, %arg2: memref<79x256xf32, #tpu.memory_space<vmem>>, %arg3: memref<79x256xf32, #tpu.memory_space<vmem>>, %arg4: memref<79x256xf32, #tpu.memory_space<vmem>>, %arg5: memref<79x256xf32, #tpu.memory_space<vmem>>, %arg6: memref<8x32384xf32, #tpu.memory_space<vmem>>) attributes {dimension_semantics = [], scalar_prefetch = 0 : i64, scratch_operands = 1 : i64, tpu.core_type = #tpu.core_type<tc>} {
    %broadcast_in_dim3A = arith.constant 0.000000e+00 : f32
    %broadcast_in_dim3A_0 = vector.broadcast %broadcast_in_dim3A : f32 to vector<8x32384xf32>
    %swap3A = arith.constant 0 : index
    %swap3A_1 = arith.constant 0 : index
    %swap3A_2 = vector.load %arg6[%swap3A, %swap3A_1] : memref<8x32384xf32, #tpu.memory_space<vmem>>, vector<8x32384xf32>
    tpu.vector_store %arg6[%swap3A, %swap3A_1], %broadcast_in_dim3A_0 {strides = array<i32>} : memref<8x32384xf32, #tpu.memory_space<vmem>>, vector<8x32384xf32>,
    %iota3A = tpu.iota {dimensions = array<i32: 0>} : vector<256x256xi32>
    %iota3A_3 = tpu.iota {dimensions = array<i32: 1>} : vector<256x256xi32>
    %gt3A = arith.cmpi sgt, %iota3A, %iota3A_3 : vector<256x256xi32>
    %convert_element_type3A = arith.extui %gt3A : vector<256x256xi1> to vector<256x256xi32>
    %convert_element_type3A_4 = arith.sitofp %convert_element_type3A : vector<256x256xi32> to vector<256x256xf32>
    %ge3A = arith.cmpi sge, %iota3A, %iota3A_3 : vector<256x256xi32>
    %convert_element_type3A_5 = arith.extui %ge3A : vector<256x256xi1> to vector<256x256xi32>
    %convert_element_type3A_6 = arith.sitofp %convert_element_type3A_5 : vector<256x256xi32> to vector<256x256xf32>
    %eq3A = arith.cmpi eq, %iota3A, %iota3A_3 : vector<256x256xi32>
    %convert_element_type3A_7 = arith.extui %eq3A : vector<256x256xi1> to vector<256x256xi32>
    %convert_element_type3A_8 = arith.sitofp %convert_element_type3A_7 : vector<256x256xi32> to vector<256x256xf32>
    %iota3A_9 = tpu.iota {dimensions = array<i32: 1>} : vector<1x256xi32>
    %convert_element_type3A_10 = arith.sitofp %iota3A_9 : vector<1x256xi32> to vector<1x256xf32>
    %scan3A = arith.constant 0 : i32
    %scan3A_11 = arith.constant 0 : i32
    %scan3A_12 = arith.constant 79 : i32
    %scan3A_13 = arith.addi %scan3A_11, %scan3A_12 : i32
    %scan3A_14 = arith.constant 1 : i32
    %scan3A_15 = scf.for %scan3A_17 = %scan3A_11 to %scan3A_13 step %scan3A_14 iter_args(%scan3A_18 = %scan3A) -> (i32)  : i32 {
      %get3A = arith.index_cast %scan3A_17 : i32 to index
      %get3A_19 = arith.constant 0 : index
      %get3A_20 = vector.load %arg1[%get3A, %get3A_19] : memref<79x256xf32, #tpu.memory_space<vmem>>, vector<1x256xf32>
      %get3A_21 = arith.index_cast %scan3A_17 : i32 to index
      %get3A_22 = arith.constant 0 : index
      %get3A_23 = vector.load %arg2[%get3A_21, %get3A_22] : memref<79x256xf32, #tpu.memory_space<vmem>>, vector<1x256xf32>
      %get3A_24 = arith.index_cast %scan3A_17 : i32 to index
      %get3A_25 = arith.constant 0 : index
      %get3A_26 = vector.load %arg3[%get3A_24, %get3A_25] : memref<79x256xf32, #tpu.memory_space<vmem>>, vector<1x256xf32>
      %get3A_27 = arith.index_cast %scan3A_17 : i32 to index
      %get3A_28 = arith.constant 0 : index
      %get3A_29 = vector.load %arg4[%get3A_27, %get3A_28] : memref<79x256xf32, #tpu.memory_space<vmem>>, vector<1x256xf32>
      %sub3A = arith.subf %get3A_26, %get3A_20 : vector<1x256xf32>
      %sub3A_30 = arith.subf %get3A_29, %get3A_23 : vector<1x256xf32>
      %mul3A = arith.mulf %sub3A, %sub3A_30 : vector<1x256xf32>
      %mul3A_31 = arith.constant 256 : i32
      %mul3A_32 = arith.muli %scan3A_17, %mul3A_31 : i32
      %get3A_33 = arith.index_cast %mul3A_32 : i32 to index
      %get3A_34 = arith.constant 0 : index
      %get3A_35 = vector.load %arg0[%get3A_33, %get3A_34] : memref<20224x8xf32, #tpu.memory_space<vmem>>, vector<256x8xf32>
      %slice3A = vector.extract_strided_slice %get3A_35 {offsets = [0, 0], sizes = [256, 1], strides = [1, 1]} : vector<256x8xf32> to vector<256x1xf32>
      %slice3A_36 = vector.extract_strided_slice %get3A_35 {offsets = [0, 1], sizes = [256, 1], strides = [1, 1]} : vector<256x8xf32> to vector<256x1xf32>
      %slice3A_37 = vector.extract_strided_slice %get3A_35 {offsets = [0, 2], sizes = [256, 1], strides = [1, 1]} : vector<256x8xf32> to vector<256x1xf32>
      %slice3A_38 = vector.extract_strided_slice %get3A_35 {offsets = [0, 3], sizes = [256, 1], strides = [1, 1]} : vector<256x8xf32> to vector<256x1xf32>
      %slice3A_39 = vector.extract_strided_slice %get3A_35 {offsets = [0, 4], sizes = [256, 1], strides = [1, 1]} : vector<256x8xf32> to vector<256x1xf32>
      %sub3A_40 = arith.subf %slice3A_37, %slice3A : vector<256x1xf32>
      %sub3A_41 = arith.subf %slice3A_38, %slice3A_36 : vector<256x1xf32>
      %mul3A_42 = arith.mulf %sub3A_40, %sub3A_41 : vector<256x1xf32>
      %broadcast_in_dim3A_43 = vector.shape_cast %slice3A : vector<256x1xf32> to vector<256x1xf32>
      %broadcast_in_dim3A_44 = vector.broadcast %broadcast_in_dim3A_43 : vector<256x1xf32> to vector<256x256xf32>
      %broadcast_in_dim3A_45 = vector.shape_cast %slice3A_36 : vector<256x1xf32> to vector<256x1xf32>
      %broadcast_in_dim3A_46 = vector.broadcast %broadcast_in_dim3A_45 : vector<256x1xf32> to vector<256x256xf32>
      %broadcast_in_dim3A_47 = vector.shape_cast %slice3A_37 : vector<256x1xf32> to vector<256x1xf32>
      %broadcast_in_dim3A_48 = vector.broadcast %broadcast_in_dim3A_47 : vector<256x1xf32> to vector<256x256xf32>
      %broadcast_in_dim3A_49 = vector.shape_cast %slice3A_38 : vector<256x1xf32> to vector<256x1xf32>
      %broadcast_in_dim3A_50 = vector.broadcast %broadcast_in_dim3A_49 : vector<256x1xf32> to vector<256x256xf32>
      %broadcast_in_dim3A_51 = vector.shape_cast %mul3A_42 : vector<256x1xf32> to vector<256x1xf32>
      %broadcast_in_dim3A_52 = vector.broadcast %broadcast_in_dim3A_51 : vector<256x1xf32> to vector<256x256xf32>
      %add3A = arith.constant 1024 : i32
      %add3A_53 = arith.addi %scan3A_18, %add3A : i32
      %sub3A_54 = arith.constant 1 : i32
      %sub3A_55 = arith.subi %add3A_53, %sub3A_54 : i32
      %jit3A = arith.constant 1024 : i32
      %div3A = arith.divsi %sub3A_55, %jit3A : i32
      %sign3A = arith.constant 0 : i32
      %sign3A_56 = arith.cmpi sgt, %sub3A_55, %sign3A : i32
      %sign3A_57 = arith.extui %sign3A_56 : i1 to i32
      %sign3A_58 = arith.constant 0 : i32
      %sign3A_59 = arith.cmpi slt, %sub3A_55, %sign3A_58 : i32
      %sign3A_60 = arith.extui %sign3A_59 : i1 to i32
      %sign3A_61 = arith.subi %sign3A_57, %sign3A_60 : i32
      %sign3A_62 = arith.constant 0 : i32
      %sign3A_63 = arith.cmpi sgt, %jit3A, %sign3A_62 : i32
      %sign3A_64 = arith.extui %sign3A_63 : i1 to i32
      %sign3A_65 = arith.constant 0 : i32
      %sign3A_66 = arith.cmpi slt, %jit3A, %sign3A_65 : i32
      %sign3A_67 = arith.extui %sign3A_66 : i1 to i32
      %sign3A_68 = arith.subi %sign3A_64, %sign3A_67 : i32
      %ne3A = arith.cmpi ne, %sign3A_61, %sign3A_68 : i32
      %rem3A = arith.remsi %sub3A_55, %jit3A : i32
      %ne3A_69 = arith.constant 0 : i32
      %ne3A_70 = arith.cmpi ne, %rem3A, %ne3A_69 : i32
      %and3A = arith.andi %ne3A, %ne3A_70 : i1
      %sub3A_71 = arith.constant 1 : i32
      %sub3A_72 = arith.subi %div3A, %sub3A_71 : i32
      %select_n3A = arith.select %and3A, %sub3A_72, %div3A : i32
      %broadcast_in_dim3A_73 = arith.constant 0.000000e+00 : f32
      %broadcast_in_dim3A_74 = vector.broadcast %broadcast_in_dim3A_73 : f32 to vector<256x128xf32>
      %while3A = arith.constant 0 : i32
      %while3A_75 = arith.subi %select_n3A, %while3A : i32
      %while3A_76 = arith.addi %while3A, %while3A_75 : i32
      %while3A_77 = arith.constant 1 : i32
      %while3A_78 = arith.divsi %while3A_75, %while3A_77 : i32
      %while3A_79 = arith.muli %while3A_78, %while3A_77 : i32
      %while3A_80 = arith.addi %while3A, %while3A_79 : i32
      %while3A_81 = arith.constant 1 : i32
      %while3A_82 = scf.for %while3A_179 = %while3A to %while3A_80 step %while3A_81 iter_args(%while3A_180 = %broadcast_in_dim3A_74) -> (vector<256x128xf32>)  : i32 {
        %mul3A_181 = arith.constant 4 : i32
        %mul3A_182 = arith.muli %mul3A_181, %while3A_179 : i32
        %mul3A_183 = arith.constant 256 : i32
        %mul3A_184 = arith.muli %mul3A_182, %mul3A_183 : i32
        %multiple_of3A_185 = tpu.assume_multiple %mul3A_184, 256 : i32
        %get3A_186 = arith.constant 0 : index
        %get3A_187 = arith.index_cast %multiple_of3A_185 : i32 to index
        %get3A_188 = vector.load %arg6[%get3A_186, %get3A_187] : memref<8x32384xf32, #tpu.memory_space<vmem>>, vector<8x256xf32>
        %slice3A_189 = vector.extract_strided_slice %get3A_188 {offsets = [0, 0], sizes = [1, 256], strides = [1, 1]} : vector<8x256xf32> to vector<1x256xf32>
        %slice3A_190 = vector.extract_strided_slice %get3A_188 {offsets = [1, 0], sizes = [1, 256], strides = [1, 1]} : vector<8x256xf32> to vector<1x256xf32>
        %slice3A_191 = vector.extract_strided_slice %get3A_188 {offsets = [2, 0], sizes = [1, 256], strides = [1, 1]} : vector<8x256xf32> to vector<1x256xf32>
        %slice3A_192 = vector.extract_strided_slice %get3A_188 {offsets = [3, 0], sizes = [1, 256], strides = [1, 1]} : vector<8x256xf32> to vector<1x256xf32>
        %slice3A_193 = vector.extract_strided_slice %get3A_188 {offsets = [4, 0], sizes = [1, 256], strides = [1, 1]} : vector<8x256xf32> to vector<1x256xf32>
        %max3A_194 = vector.broadcast %slice3A_189 : vector<1x256xf32> to vector<256x256xf32>
        %max3A_195 = arith.maximumf %broadcast_in_dim3A_44, %max3A_194 : vector<256x256xf32>
        %max3A_196 = vector.broadcast %slice3A_190 : vector<1x256xf32> to vector<256x256xf32>
        %max3A_197 = arith.maximumf %broadcast_in_dim3A_46, %max3A_196 : vector<256x256xf32>
        %min3A_198 = vector.broadcast %slice3A_191 : vector<1x256xf32> to vector<256x256xf32>
        %min3A_199 = arith.minimumf %broadcast_in_dim3A_48, %min3A_198 : vector<256x256xf32>
        %min3A_200 = vector.broadcast %slice3A_192 : vector<1x256xf32> to vector<256x256xf32>
        %min3A_201 = arith.minimumf %broadcast_in_dim3A_50, %min3A_200 : vector<256x256xf32>
        %sub3A_202 = arith.subf %min3A_199, %max3A_195 : vector<256x256xf32>
        %max3A_203 = arith.constant 0.000000e+00 : f32
        %max3A_204 = vector.broadcast %max3A_203 : f32 to vector<256x256xf32>
        %max3A_205 = arith.maximumf %sub3A_202, %max3A_204 : vector<256x256xf32>
        %sub3A_206 = arith.subf %min3A_201, %max3A_197 : vector<256x256xf32>
        %max3A_207 = arith.constant 0.000000e+00 : f32
        %max3A_208 = vector.broadcast %max3A_207 : f32 to vector<256x256xf32>
        %max3A_209 = arith.maximumf %sub3A_206, %max3A_208 : vector<256x256xf32>
        %mul3A_210 = arith.mulf %max3A_205, %max3A_209 : vector<256x256xf32>
        %add3A_211 = vector.broadcast %slice3A_193 : vector<1x256xf32> to vector<256x256xf32>
        %add3A_212 = arith.addf %broadcast_in_dim3A_52, %add3A_211 : vector<256x256xf32>
        %sub3A_213 = arith.subf %add3A_212, %mul3A_210 : vector<256x256xf32>
        %add3A_214 = arith.constant 9.99999971E-10 : f32
        %add3A_215 = vector.broadcast %add3A_214 : f32 to vector<256x256xf32>
        %add3A_216 = arith.addf %sub3A_213, %add3A_215 : vector<256x256xf32>
        %div3A_217 = arith.divf %mul3A_210, %add3A_216 : vector<256x256xf32>
        %mul3A_218 = arith.constant 4 : i32
        %mul3A_219 = arith.muli %mul3A_218, %while3A_179 : i32
        %add3A_220 = arith.constant 1 : i32
        %add3A_221 = arith.addi %mul3A_219, %add3A_220 : i32
        %mul3A_222 = arith.constant 256 : i32
        %mul3A_223 = arith.muli %add3A_221, %mul3A_222 : i32
        %multiple_of3A_224 = tpu.assume_multiple %mul3A_223, 256 : i32
        %get3A_225 = arith.constant 0 : index
        %get3A_226 = arith.index_cast %multiple_of3A_224 : i32 to index
        %get3A_227 = vector.load %arg6[%get3A_225, %get3A_226] : memref<8x32384xf32, #tpu.memory_space<vmem>>, vector<8x256xf32>
        %slice3A_228 = vector.extract_strided_slice %get3A_227 {offsets = [0, 0], sizes = [1, 256], strides = [1, 1]} : vector<8x256xf32> to vector<1x256xf32>
        %slice3A_229 = vector.extract_strided_slice %get3A_227 {offsets = [1, 0], sizes = [1, 256], strides = [1, 1]} : vector<8x256xf32> to vector<1x256xf32>
        %slice3A_230 = vector.extract_strided_slice %get3A_227 {offsets = [2, 0], sizes = [1, 256], strides = [1, 1]} : vector<8x256xf32> to vector<1x256xf32>
        %slice3A_231 = vector.extract_strided_slice %get3A_227 {offsets = [3, 0], sizes = [1, 256], strides = [1, 1]} : vector<8x256xf32> to vector<1x256xf32>
        %slice3A_232 = vector.extract_strided_slice %get3A_227 {offsets = [4, 0], sizes = [1, 256], strides = [1, 1]} : vector<8x256xf32> to vector<1x256xf32>
        %max3A_233 = vector.broadcast %slice3A_228 : vector<1x256xf32> to vector<256x256xf32>
        %max3A_234 = arith.maximumf %broadcast_in_dim3A_44, %max3A_233 : vector<256x256xf32>
        %max3A_235 = vector.broadcast %slice3A_229 : vector<1x256xf32> to vector<256x256xf32>
        %max3A_236 = arith.maximumf %broadcast_in_dim3A_46, %max3A_235 : vector<256x256xf32>
        %min3A_237 = vector.broadcast %slice3A_230 : vector<1x256xf32> to vector<256x256xf32>
        %min3A_238 = arith.minimumf %broadcast_in_dim3A_48, %min3A_237 : vector<256x256xf32>
        %min3A_239 = vector.broadcast %slice3A_231 : vector<1x256xf32> to vector<256x256xf32>
        %min3A_240 = arith.minimumf %broadcast_in_dim3A_50, %min3A_239 : vector<256x256xf32>
        %sub3A_241 = arith.subf %min3A_238, %max3A_234 : vector<256x256xf32>
        %max3A_242 = arith.constant 0.000000e+00 : f32
        %max3A_243 = vector.broadcast %max3A_242 : f32 to vector<256x256xf32>
        %max3A_244 = arith.maximumf %sub3A_241, %max3A_243 : vector<256x256xf32>
        %sub3A_245 = arith.subf %min3A_240, %max3A_236 : vector<256x256xf32>
        %max3A_246 = arith.constant 0.000000e+00 : f32
        %max3A_247 = vector.broadcast %max3A_246 : f32 to vector<256x256xf32>
        %max3A_248 = arith.maximumf %sub3A_245, %max3A_247 : vector<256x256xf32>
        %mul3A_249 = arith.mulf %max3A_244, %max3A_248 : vector<256x256xf32>
        %add3A_250 = vector.broadcast %slice3A_232 : vector<1x256xf32> to vector<256x256xf32>
        %add3A_251 = arith.addf %broadcast_in_dim3A_52, %add3A_250 : vector<256x256xf32>
        %sub3A_252 = arith.subf %add3A_251, %mul3A_249 : vector<256x256xf32>
        %add3A_253 = arith.constant 9.99999971E-10 : f32
        %add3A_254 = vector.broadcast %add3A_253 : f32 to vector<256x256xf32>
        %add3A_255 = arith.addf %sub3A_252, %add3A_254 : vector<256x256xf32>
        %div3A_256 = arith.divf %mul3A_249, %add3A_255 : vector<256x256xf32>
        %max3A_257 = arith.maximumf %div3A_217, %div3A_256 : vector<256x256xf32>
        %mul3A_258 = arith.constant 4 : i32
        %mul3A_259 = arith.muli %mul3A_258, %while3A_179 : i32
        %add3A_260 = arith.constant 2 : i32
        %add3A_261 = arith.addi %mul3A_259, %add3A_260 : i32
        %mul3A_262 = arith.constant 256 : i32
        %mul3A_263 = arith.muli %add3A_261, %mul3A_262 : i32
        %multiple_of3A_264 = tpu.assume_multiple %mul3A_263, 256 : i32
        %get3A_265 = arith.constant 0 : index
        %get3A_266 = arith.index_cast %multiple_of3A_264 : i32 to index
        %get3A_267 = vector.load %arg6[%get3A_265, %get3A_266] : memref<8x32384xf32, #tpu.memory_space<vmem>>, vector<8x256xf32>
        %slice3A_268 = vector.extract_strided_slice %get3A_267 {offsets = [0, 0], sizes = [1, 256], strides = [1, 1]} : vector<8x256xf32> to vector<1x256xf32>
        %slice3A_269 = vector.extract_strided_slice %get3A_267 {offsets = [1, 0], sizes = [1, 256], strides = [1, 1]} : vector<8x256xf32> to vector<1x256xf32>
        %slice3A_270 = vector.extract_strided_slice %get3A_267 {offsets = [2, 0], sizes = [1, 256], strides = [1, 1]} : vector<8x256xf32> to vector<1x256xf32>
        %slice3A_271 = vector.extract_strided_slice %get3A_267 {offsets = [3, 0], sizes = [1, 256], strides = [1, 1]} : vector<8x256xf32> to vector<1x256xf32>
        %slice3A_272 = vector.extract_strided_slice %get3A_267 {offsets = [4, 0], sizes = [1, 256], strides = [1, 1]} : vector<8x256xf32> to vector<1x256xf32>
        %max3A_273 = vector.broadcast %slice3A_268 : vector<1x256xf32> to vector<256x256xf32>
        %max3A_274 = arith.maximumf %broadcast_in_dim3A_44, %max3A_273 : vector<256x256xf32>
        %max3A_275 = vector.broadcast %slice3A_269 : vector<1x256xf32> to vector<256x256xf32>
        %max3A_276 = arith.maximumf %broadcast_in_dim3A_46, %max3A_275 : vector<256x256xf32>
        %min3A_277 = vector.broadcast %slice3A_270 : vector<1x256xf32> to vector<256x256xf32>
        %min3A_278 = arith.minimumf %broadcast_in_dim3A_48, %min3A_277 : vector<256x256xf32>
        %min3A_279 = vector.broadcast %slice3A_271 : vector<1x256xf32> to vector<256x256xf32>
        %min3A_280 = arith.minimumf %broadcast_in_dim3A_50, %min3A_279 : vector<256x256xf32>
        %sub3A_281 = arith.subf %min3A_278, %max3A_274 : vector<256x256xf32>
        %max3A_282 = arith.constant 0.000000e+00 : f32
        %max3A_283 = vector.broadcast %max3A_282 : f32 to vector<256x256xf32>
        %max3A_284 = arith.maximumf %sub3A_281, %max3A_283 : vector<256x256xf32>
        %sub3A_285 = arith.subf %min3A_280, %max3A_276 : vector<256x256xf32>
        %max3A_286 = arith.constant 0.000000e+00 : f32
        %max3A_287 = vector.broadcast %max3A_286 : f32 to vector<256x256xf32>
        %max3A_288 = arith.maximumf %sub3A_285, %max3A_287 : vector<256x256xf32>
        %mul3A_289 = arith.mulf %max3A_284, %max3A_288 : vector<256x256xf32>
        %add3A_290 = vector.broadcast %slice3A_272 : vector<1x256xf32> to vector<256x256xf32>
        %add3A_291 = arith.addf %broadcast_in_dim3A_52, %add3A_290 : vector<256x256xf32>
        %sub3A_292 = arith.subf %add3A_291, %mul3A_289 : vector<256x256xf32>
        %add3A_293 = arith.constant 9.99999971E-10 : f32
        %add3A_294 = vector.broadcast %add3A_293 : f32 to vector<256x256xf32>
        %add3A_295 = arith.addf %sub3A_292, %add3A_294 : vector<256x256xf32>
        %div3A_296 = arith.divf %mul3A_289, %add3A_295 : vector<256x256xf32>
        %mul3A_297 = arith.constant 4 : i32
        %mul3A_298 = arith.muli %mul3A_297, %while3A_179 : i32
        %add3A_299 = arith.constant 3 : i32
        %add3A_300 = arith.addi %mul3A_298, %add3A_299 : i32
        %mul3A_301 = arith.constant 256 : i32
        %mul3A_302 = arith.muli %add3A_300, %mul3A_301 : i32
        %multiple_of3A_303 = tpu.assume_multiple %mul3A_302, 256 : i32
        %get3A_304 = arith.constant 0 : index
        %get3A_305 = arith.index_cast %multiple_of3A_303 : i32 to index
        %get3A_306 = vector.load %arg6[%get3A_304, %get3A_305] : memref<8x32384xf32, #tpu.memory_space<vmem>>, vector<8x256xf32>
        %slice3A_307 = vector.extract_strided_slice %get3A_306 {offsets = [0, 0], sizes = [1, 256], strides = [1, 1]} : vector<8x256xf32> to vector<1x256xf32>
        %slice3A_308 = vector.extract_strided_slice %get3A_306 {offsets = [1, 0], sizes = [1, 256], strides = [1, 1]} : vector<8x256xf32> to vector<1x256xf32>
        %slice3A_309 = vector.extract_strided_slice %get3A_306 {offsets = [2, 0], sizes = [1, 256], strides = [1, 1]} : vector<8x256xf32> to vector<1x256xf32>
        %slice3A_310 = vector.extract_strided_slice %get3A_306 {offsets = [3, 0], sizes = [1, 256], strides = [1, 1]} : vector<8x256xf32> to vector<1x256xf32>
        %slice3A_311 = vector.extract_strided_slice %get3A_306 {offsets = [4, 0], sizes = [1, 256], strides = [1, 1]} : vector<8x256xf32> to vector<1x256xf32>
        %max3A_312 = vector.broadcast %slice3A_307 : vector<1x256xf32> to vector<256x256xf32>
        %max3A_313 = arith.maximumf %broadcast_in_dim3A_44, %max3A_312 : vector<256x256xf32>
        %max3A_314 = vector.broadcast %slice3A_308 : vector<1x256xf32> to vector<256x256xf32>
        %max3A_315 = arith.maximumf %broadcast_in_dim3A_46, %max3A_314 : vector<256x256xf32>
        %min3A_316 = vector.broadcast %slice3A_309 : vector<1x256xf32> to vector<256x256xf32>
        %min3A_317 = arith.minimumf %broadcast_in_dim3A_48, %min3A_316 : vector<256x256xf32>
        %min3A_318 = vector.broadcast %slice3A_310 : vector<1x256xf32> to vector<256x256xf32>
        %min3A_319 = arith.minimumf %broadcast_in_dim3A_50, %min3A_318 : vector<256x256xf32>
        %sub3A_320 = arith.subf %min3A_317, %max3A_313 : vector<256x256xf32>
        %max3A_321 = arith.constant 0.000000e+00 : f32
        %max3A_322 = vector.broadcast %max3A_321 : f32 to vector<256x256xf32>
        %max3A_323 = arith.maximumf %sub3A_320, %max3A_322 : vector<256x256xf32>
        %sub3A_324 = arith.subf %min3A_319, %max3A_315 : vector<256x256xf32>
        %max3A_325 = arith.constant 0.000000e+00 : f32
        %max3A_326 = vector.broadcast %max3A_325 : f32 to vector<256x256xf32>
        %max3A_327 = arith.maximumf %sub3A_324, %max3A_326 : vector<256x256xf32>
        %mul3A_328 = arith.mulf %max3A_323, %max3A_327 : vector<256x256xf32>
        %add3A_329 = vector.broadcast %slice3A_311 : vector<1x256xf32> to vector<256x256xf32>
        %add3A_330 = arith.addf %broadcast_in_dim3A_52, %add3A_329 : vector<256x256xf32>
        %sub3A_331 = arith.subf %add3A_330, %mul3A_328 : vector<256x256xf32>
        %add3A_332 = arith.constant 9.99999971E-10 : f32
        %add3A_333 = vector.broadcast %add3A_332 : f32 to vector<256x256xf32>
        %add3A_334 = arith.addf %sub3A_331, %add3A_333 : vector<256x256xf32>
        %div3A_335 = arith.divf %mul3A_328, %add3A_334 : vector<256x256xf32>
        %max3A_336 = arith.maximumf %div3A_296, %div3A_335 : vector<256x256xf32>
        %max3A_337 = arith.maximumf %max3A_257, %max3A_336 : vector<256x256xf32>
        %slice3A_338 = vector.extract_strided_slice %max3A_337 {offsets = [0, 0], sizes = [256, 128], strides = [1, 1]} : vector<256x256xf32> to vector<256x128xf32>
        %slice3A_339 = vector.extract_strided_slice %max3A_337 {offsets = [0, 128], sizes = [256, 128], strides = [1, 1]} : vector<256x256xf32> to vector<256x128xf32>
        %max3A_340 = arith.maximumf %slice3A_338, %slice3A_339 : vector<256x128xf32>
        %max3A_341 = arith.maximumf %while3A_180, %max3A_340 : vector<256x128xf32>
        scf.yield %max3A_341 : vector<256x128xf32>
      }
      %while3A_83 = arith.constant 1 : i32
      %while3A_84 = scf.for %while3A_179 = %while3A_80 to %while3A_76 step %while3A_83 iter_args(%while3A_180 = %while3A_82) -> (vector<256x128xf32>)  : i32 {
        %mul3A_181 = arith.constant 4 : i32
        %mul3A_182 = arith.muli %mul3A_181, %while3A_179 : i32
        %mul3A_183 = arith.constant 256 : i32
        %mul3A_184 = arith.muli %mul3A_182, %mul3A_183 : i32
        %multiple_of3A_185 = tpu.assume_multiple %mul3A_184, 256 : i32
        %get3A_186 = arith.constant 0 : index
        %get3A_187 = arith.index_cast %multiple_of3A_185 : i32 to index
        %get3A_188 = vector.load %arg6[%get3A_186, %get3A_187] : memref<8x32384xf32, #tpu.memory_space<vmem>>, vector<8x256xf32>
        %slice3A_189 = vector.extract_strided_slice %get3A_188 {offsets = [0, 0], sizes = [1, 256], strides = [1, 1]} : vector<8x256xf32> to vector<1x256xf32>
        %slice3A_190 = vector.extract_strided_slice %get3A_188 {offsets = [1, 0], sizes = [1, 256], strides = [1, 1]} : vector<8x256xf32> to vector<1x256xf32>
        %slice3A_191 = vector.extract_strided_slice %get3A_188 {offsets = [2, 0], sizes = [1, 256], strides = [1, 1]} : vector<8x256xf32> to vector<1x256xf32>
        %slice3A_192 = vector.extract_strided_slice %get3A_188 {offsets = [3, 0], sizes = [1, 256], strides = [1, 1]} : vector<8x256xf32> to vector<1x256xf32>
        %slice3A_193 = vector.extract_strided_slice %get3A_188 {offsets = [4, 0], sizes = [1, 256], strides = [1, 1]} : vector<8x256xf32> to vector<1x256xf32>
        %max3A_194 = vector.broadcast %slice3A_189 : vector<1x256xf32> to vector<256x256xf32>
        %max3A_195 = arith.maximumf %broadcast_in_dim3A_44, %max3A_194 : vector<256x256xf32>
        %max3A_196 = vector.broadcast %slice3A_190 : vector<1x256xf32> to vector<256x256xf32>
        %max3A_197 = arith.maximumf %broadcast_in_dim3A_46, %max3A_196 : vector<256x256xf32>
        %min3A_198 = vector.broadcast %slice3A_191 : vector<1x256xf32> to vector<256x256xf32>
        %min3A_199 = arith.minimumf %broadcast_in_dim3A_48, %min3A_198 : vector<256x256xf32>
        %min3A_200 = vector.broadcast %slice3A_192 : vector<1x256xf32> to vector<256x256xf32>
        %min3A_201 = arith.minimumf %broadcast_in_dim3A_50, %min3A_200 : vector<256x256xf32>
        %sub3A_202 = arith.subf %min3A_199, %max3A_195 : vector<256x256xf32>
        %max3A_203 = arith.constant 0.000000e+00 : f32
        %max3A_204 = vector.broadcast %max3A_203 : f32 to vector<256x256xf32>
        %max3A_205 = arith.maximumf %sub3A_202, %max3A_204 : vector<256x256xf32>
        %sub3A_206 = arith.subf %min3A_201, %max3A_197 : vector<256x256xf32>
        %max3A_207 = arith.constant 0.000000e+00 : f32
        %max3A_208 = vector.broadcast %max3A_207 : f32 to vector<256x256xf32>
        %max3A_209 = arith.maximumf %sub3A_206, %max3A_208 : vector<256x256xf32>
        %mul3A_210 = arith.mulf %max3A_205, %max3A_209 : vector<256x256xf32>
        %add3A_211 = vector.broadcast %slice3A_193 : vector<1x256xf32> to vector<256x256xf32>
        %add3A_212 = arith.addf %broadcast_in_dim3A_52, %add3A_211 : vector<256x256xf32>
        %sub3A_213 = arith.subf %add3A_212, %mul3A_210 : vector<256x256xf32>
        %add3A_214 = arith.constant 9.99999971E-10 : f32
        %add3A_215 = vector.broadcast %add3A_214 : f32 to vector<256x256xf32>
        %add3A_216 = arith.addf %sub3A_213, %add3A_215 : vector<256x256xf32>
        %div3A_217 = arith.divf %mul3A_210, %add3A_216 : vector<256x256xf32>
        %mul3A_218 = arith.constant 4 : i32
        %mul3A_219 = arith.muli %mul3A_218, %while3A_179 : i32
        %add3A_220 = arith.constant 1 : i32
        %add3A_221 = arith.addi %mul3A_219, %add3A_220 : i32
        %mul3A_222 = arith.constant 256 : i32
        %mul3A_223 = arith.muli %add3A_221, %mul3A_222 : i32
        %multiple_of3A_224 = tpu.assume_multiple %mul3A_223, 256 : i32
        %get3A_225 = arith.constant 0 : index
        %get3A_226 = arith.index_cast %multiple_of3A_224 : i32 to index
        %get3A_227 = vector.load %arg6[%get3A_225, %get3A_226] : memref<8x32384xf32, #tpu.memory_space<vmem>>, vector<8x256xf32>
        %slice3A_228 = vector.extract_strided_slice %get3A_227 {offsets = [0, 0], sizes = [1, 256], strides = [1, 1]} : vector<8x256xf32> to vector<1x256xf32>
        %slice3A_229 = vector.extract_strided_slice %get3A_227 {offsets = [1, 0], sizes = [1, 256], strides = [1, 1]} : vector<8x256xf32> to vector<1x256xf32>
        %slice3A_230 = vector.extract_strided_slice %get3A_227 {offsets = [2, 0], sizes = [1, 256], strides = [1, 1]} : vector<8x256xf32> to vector<1x256xf32>
        %slice3A_231 = vector.extract_strided_slice %get3A_227 {offsets = [3, 0], sizes = [1, 256], strides = [1, 1]} : vector<8x256xf32> to vector<1x256xf32>
        %slice3A_232 = vector.extract_strided_slice %get3A_227 {offsets = [4, 0], sizes = [1, 256], strides = [1, 1]} : vector<8x256xf32> to vector<1x256xf32>
        %max3A_233 = vector.broadcast %slice3A_228 : vector<1x256xf32> to vector<256x256xf32>
        %max3A_234 = arith.maximumf %broadcast_in_dim3A_44, %max3A_233 : vector<256x256xf32>
        %max3A_235 = vector.broadcast %slice3A_229 : vector<1x256xf32> to vector<256x256xf32>
        %max3A_236 = arith.maximumf %broadcast_in_dim3A_46, %max3A_235 : vector<256x256xf32>
        %min3A_237 = vector.broadcast %slice3A_230 : vector<1x256xf32> to vector<256x256xf32>
        %min3A_238 = arith.minimumf %broadcast_in_dim3A_48, %min3A_237 : vector<256x256xf32>
        %min3A_239 = vector.broadcast %slice3A_231 : vector<1x256xf32> to vector<256x256xf32>
        %min3A_240 = arith.minimumf %broadcast_in_dim3A_50, %min3A_239 : vector<256x256xf32>
        %sub3A_241 = arith.subf %min3A_238, %max3A_234 : vector<256x256xf32>
        %max3A_242 = arith.constant 0.000000e+00 : f32
        %max3A_243 = vector.broadcast %max3A_242 : f32 to vector<256x256xf32>
        %max3A_244 = arith.maximumf %sub3A_241, %max3A_243 : vector<256x256xf32>
        %sub3A_245 = arith.subf %min3A_240, %max3A_236 : vector<256x256xf32>
        %max3A_246 = arith.constant 0.000000e+00 : f32
        %max3A_247 = vector.broadcast %max3A_246 : f32 to vector<256x256xf32>
        %max3A_248 = arith.maximumf %sub3A_245, %max3A_247 : vector<256x256xf32>
        %mul3A_249 = arith.mulf %max3A_244, %max3A_248 : vector<256x256xf32>
        %add3A_250 = vector.broadcast %slice3A_232 : vector<1x256xf32> to vector<256x256xf32>
        %add3A_251 = arith.addf %broadcast_in_dim3A_52, %add3A_250 : vector<256x256xf32>
        %sub3A_252 = arith.subf %add3A_251, %mul3A_249 : vector<256x256xf32>
        %add3A_253 = arith.constant 9.99999971E-10 : f32
        %add3A_254 = vector.broadcast %add3A_253 : f32 to vector<256x256xf32>
        %add3A_255 = arith.addf %sub3A_252, %add3A_254 : vector<256x256xf32>
        %div3A_256 = arith.divf %mul3A_249, %add3A_255 : vector<256x256xf32>
        %max3A_257 = arith.maximumf %div3A_217, %div3A_256 : vector<256x256xf32>
        %mul3A_258 = arith.constant 4 : i32
        %mul3A_259 = arith.muli %mul3A_258, %while3A_179 : i32
        %add3A_260 = arith.constant 2 : i32
        %add3A_261 = arith.addi %mul3A_259, %add3A_260 : i32
        %mul3A_262 = arith.constant 256 : i32
        %mul3A_263 = arith.muli %add3A_261, %mul3A_262 : i32
        %multiple_of3A_264 = tpu.assume_multiple %mul3A_263, 256 : i32
        %get3A_265 = arith.constant 0 : index
        %get3A_266 = arith.index_cast %multiple_of3A_264 : i32 to index
        %get3A_267 = vector.load %arg6[%get3A_265, %get3A_266] : memref<8x32384xf32, #tpu.memory_space<vmem>>, vector<8x256xf32>
        %slice3A_268 = vector.extract_strided_slice %get3A_267 {offsets = [0, 0], sizes = [1, 256], strides = [1, 1]} : vector<8x256xf32> to vector<1x256xf32>
        %slice3A_269 = vector.extract_strided_slice %get3A_267 {offsets = [1, 0], sizes = [1, 256], strides = [1, 1]} : vector<8x256xf32> to vector<1x256xf32>
        %slice3A_270 = vector.extract_strided_slice %get3A_267 {offsets = [2, 0], sizes = [1, 256], strides = [1, 1]} : vector<8x256xf32> to vector<1x256xf32>
        %slice3A_271 = vector.extract_strided_slice %get3A_267 {offsets = [3, 0], sizes = [1, 256], strides = [1, 1]} : vector<8x256xf32> to vector<1x256xf32>
        %slice3A_272 = vector.extract_strided_slice %get3A_267 {offsets = [4, 0], sizes = [1, 256], strides = [1, 1]} : vector<8x256xf32> to vector<1x256xf32>
        %max3A_273 = vector.broadcast %slice3A_268 : vector<1x256xf32> to vector<256x256xf32>
        %max3A_274 = arith.maximumf %broadcast_in_dim3A_44, %max3A_273 : vector<256x256xf32>
        %max3A_275 = vector.broadcast %slice3A_269 : vector<1x256xf32> to vector<256x256xf32>
        %max3A_276 = arith.maximumf %broadcast_in_dim3A_46, %max3A_275 : vector<256x256xf32>
        %min3A_277 = vector.broadcast %slice3A_270 : vector<1x256xf32> to vector<256x256xf32>
        %min3A_278 = arith.minimumf %broadcast_in_dim3A_48, %min3A_277 : vector<256x256xf32>
        %min3A_279 = vector.broadcast %slice3A_271 : vector<1x256xf32> to vector<256x256xf32>
        %min3A_280 = arith.minimumf %broadcast_in_dim3A_50, %min3A_279 : vector<256x256xf32>
        %sub3A_281 = arith.subf %min3A_278, %max3A_274 : vector<256x256xf32>
        %max3A_282 = arith.constant 0.000000e+00 : f32
        %max3A_283 = vector.broadcast %max3A_282 : f32 to vector<256x256xf32>
        %max3A_284 = arith.maximumf %sub3A_281, %max3A_283 : vector<256x256xf32>
        %sub3A_285 = arith.subf %min3A_280, %max3A_276 : vector<256x256xf32>
        %max3A_286 = arith.constant 0.000000e+00 : f32
        %max3A_287 = vector.broadcast %max3A_286 : f32 to vector<256x256xf32>
        %max3A_288 = arith.maximumf %sub3A_285, %max3A_287 : vector<256x256xf32>
        %mul3A_289 = arith.mulf %max3A_284, %max3A_288 : vector<256x256xf32>
        %add3A_290 = vector.broadcast %slice3A_272 : vector<1x256xf32> to vector<256x256xf32>
        %add3A_291 = arith.addf %broadcast_in_dim3A_52, %add3A_290 : vector<256x256xf32>
        %sub3A_292 = arith.subf %add3A_291, %mul3A_289 : vector<256x256xf32>
        %add3A_293 = arith.constant 9.99999971E-10 : f32
        %add3A_294 = vector.broadcast %add3A_293 : f32 to vector<256x256xf32>
        %add3A_295 = arith.addf %sub3A_292, %add3A_294 : vector<256x256xf32>
        %div3A_296 = arith.divf %mul3A_289, %add3A_295 : vector<256x256xf32>
        %mul3A_297 = arith.constant 4 : i32
        %mul3A_298 = arith.muli %mul3A_297, %while3A_179 : i32
        %add3A_299 = arith.constant 3 : i32
        %add3A_300 = arith.addi %mul3A_298, %add3A_299 : i32
        %mul3A_301 = arith.constant 256 : i32
        %mul3A_302 = arith.muli %add3A_300, %mul3A_301 : i32
        %multiple_of3A_303 = tpu.assume_multiple %mul3A_302, 256 : i32
        %get3A_304 = arith.constant 0 : index
        %get3A_305 = arith.index_cast %multiple_of3A_303 : i32 to index
        %get3A_306 = vector.load %arg6[%get3A_304, %get3A_305] : memref<8x32384xf32, #tpu.memory_space<vmem>>, vector<8x256xf32>
        %slice3A_307 = vector.extract_strided_slice %get3A_306 {offsets = [0, 0], sizes = [1, 256], strides = [1, 1]} : vector<8x256xf32> to vector<1x256xf32>
        %slice3A_308 = vector.extract_strided_slice %get3A_306 {offsets = [1, 0], sizes = [1, 256], strides = [1, 1]} : vector<8x256xf32> to vector<1x256xf32>
        %slice3A_309 = vector.extract_strided_slice %get3A_306 {offsets = [2, 0], sizes = [1, 256], strides = [1, 1]} : vector<8x256xf32> to vector<1x256xf32>
        %slice3A_310 = vector.extract_strided_slice %get3A_306 {offsets = [3, 0], sizes = [1, 256], strides = [1, 1]} : vector<8x256xf32> to vector<1x256xf32>
        %slice3A_311 = vector.extract_strided_slice %get3A_306 {offsets = [4, 0], sizes = [1, 256], strides = [1, 1]} : vector<8x256xf32> to vector<1x256xf32>
        %max3A_312 = vector.broadcast %slice3A_307 : vector<1x256xf32> to vector<256x256xf32>
        %max3A_313 = arith.maximumf %broadcast_in_dim3A_44, %max3A_312 : vector<256x256xf32>
        %max3A_314 = vector.broadcast %slice3A_308 : vector<1x256xf32> to vector<256x256xf32>
        %max3A_315 = arith.maximumf %broadcast_in_dim3A_46, %max3A_314 : vector<256x256xf32>
        %min3A_316 = vector.broadcast %slice3A_309 : vector<1x256xf32> to vector<256x256xf32>
        %min3A_317 = arith.minimumf %broadcast_in_dim3A_48, %min3A_316 : vector<256x256xf32>
        %min3A_318 = vector.broadcast %slice3A_310 : vector<1x256xf32> to vector<256x256xf32>
        %min3A_319 = arith.minimumf %broadcast_in_dim3A_50, %min3A_318 : vector<256x256xf32>
        %sub3A_320 = arith.subf %min3A_317, %max3A_313 : vector<256x256xf32>
        %max3A_321 = arith.constant 0.000000e+00 : f32
        %max3A_322 = vector.broadcast %max3A_321 : f32 to vector<256x256xf32>
        %max3A_323 = arith.maximumf %sub3A_320, %max3A_322 : vector<256x256xf32>
        %sub3A_324 = arith.subf %min3A_319, %max3A_315 : vector<256x256xf32>
        %max3A_325 = arith.constant 0.000000e+00 : f32
        %max3A_326 = vector.broadcast %max3A_325 : f32 to vector<256x256xf32>
        %max3A_327 = arith.maximumf %sub3A_324, %max3A_326 : vector<256x256xf32>
        %mul3A_328 = arith.mulf %max3A_323, %max3A_327 : vector<256x256xf32>
        %add3A_329 = vector.broadcast %slice3A_311 : vector<1x256xf32> to vector<256x256xf32>
        %add3A_330 = arith.addf %broadcast_in_dim3A_52, %add3A_329 : vector<256x256xf32>
        %sub3A_331 = arith.subf %add3A_330, %mul3A_328 : vector<256x256xf32>
        %add3A_332 = arith.constant 9.99999971E-10 : f32
        %add3A_333 = vector.broadcast %add3A_332 : f32 to vector<256x256xf32>
        %add3A_334 = arith.addf %sub3A_331, %add3A_333 : vector<256x256xf32>
        %div3A_335 = arith.divf %mul3A_328, %add3A_334 : vector<256x256xf32>
        %max3A_336 = arith.maximumf %div3A_296, %div3A_335 : vector<256x256xf32>
        %max3A_337 = arith.maximumf %max3A_257, %max3A_336 : vector<256x256xf32>
        %slice3A_338 = vector.extract_strided_slice %max3A_337 {offsets = [0, 0], sizes = [256, 128], strides = [1, 1]} : vector<256x256xf32> to vector<256x128xf32>
        %slice3A_339 = vector.extract_strided_slice %max3A_337 {offsets = [0, 128], sizes = [256, 128], strides = [1, 1]} : vector<256x256xf32> to vector<256x128xf32>
        %max3A_340 = arith.maximumf %slice3A_338, %slice3A_339 : vector<256x128xf32>
        %max3A_341 = arith.maximumf %while3A_180, %max3A_340 : vector<256x128xf32>
        scf.yield %max3A_341 : vector<256x128xf32>
      }
      %reduce_max3A = arith.constant dense<0xFF800000> : vector<256xf32>
      %reduce_max3A_85 = vector.multi_reduction <maximumf>, %while3A_84, %reduce_max3A [1] : vector<256x128xf32> to vector<256xf32>
      %broadcast_in_dim3A_86 = vector.shape_cast %reduce_max3A_85 : vector<256xf32> to vector<256x1xf32>
      %gt3A_87 = arith.constant 5.000000e-01 : f32
      %gt3A_88 = vector.broadcast %gt3A_87 : f32 to vector<256x1xf32>
      %gt3A_89 = arith.cmpf ogt, %broadcast_in_dim3A_86, %gt3A_88 : vector<256x1xf32>
      %jit3A_90 = arith.constant 0.000000e+00 : f32
      %broadcast_in_dim3A_91 = vector.broadcast %jit3A_90 : f32 to vector<256x1xf32>
      %select_n3A_92 = arith.select %gt3A_89, %broadcast_in_dim3A_91, %slice3A_39 : vector<256x1xi1>, vector<256x1xf32>
      %max3A = vector.broadcast %get3A_20 : vector<1x256xf32> to vector<256x256xf32>
      %max3A_93 = arith.maximumf %broadcast_in_dim3A_44, %max3A : vector<256x256xf32>
      %max3A_94 = vector.broadcast %get3A_23 : vector<1x256xf32> to vector<256x256xf32>
      %max3A_95 = arith.maximumf %broadcast_in_dim3A_46, %max3A_94 : vector<256x256xf32>
      %min3A = vector.broadcast %get3A_26 : vector<1x256xf32> to vector<256x256xf32>
      %min3A_96 = arith.minimumf %broadcast_in_dim3A_48, %min3A : vector<256x256xf32>
      %min3A_97 = vector.broadcast %get3A_29 : vector<1x256xf32> to vector<256x256xf32>
      %min3A_98 = arith.minimumf %broadcast_in_dim3A_50, %min3A_97 : vector<256x256xf32>
      %sub3A_99 = arith.subf %min3A_96, %max3A_93 : vector<256x256xf32>
      %max3A_100 = arith.constant 0.000000e+00 : f32
      %max3A_101 = vector.broadcast %max3A_100 : f32 to vector<256x256xf32>
      %max3A_102 = arith.maximumf %sub3A_99, %max3A_101 : vector<256x256xf32>
      %sub3A_103 = arith.subf %min3A_98, %max3A_95 : vector<256x256xf32>
      %max3A_104 = arith.constant 0.000000e+00 : f32
      %max3A_105 = vector.broadcast %max3A_104 : f32 to vector<256x256xf32>
      %max3A_106 = arith.maximumf %sub3A_103, %max3A_105 : vector<256x256xf32>
      %mul3A_107 = arith.mulf %max3A_102, %max3A_106 : vector<256x256xf32>
      %add3A_108 = vector.broadcast %mul3A : vector<1x256xf32> to vector<256x256xf32>
      %add3A_109 = arith.addf %broadcast_in_dim3A_52, %add3A_108 : vector<256x256xf32>
      %sub3A_110 = arith.subf %add3A_109, %mul3A_107 : vector<256x256xf32>
      %add3A_111 = arith.constant 9.99999971E-10 : f32
      %add3A_112 = vector.broadcast %add3A_111 : f32 to vector<256x256xf32>
      %add3A_113 = arith.addf %sub3A_110, %add3A_112 : vector<256x256xf32>
      %div3A_114 = arith.divf %mul3A_107, %add3A_113 : vector<256x256xf32>
      %gt3A_115 = arith.constant 5.000000e-01 : f32
      %gt3A_116 = vector.broadcast %gt3A_115 : f32 to vector<256x256xf32>
      %gt3A_117 = arith.cmpf ogt, %div3A_114, %gt3A_116 : vector<256x256xf32>
      %convert_element_type3A_118 = arith.extui %gt3A_117 : vector<256x256xi1> to vector<256x256xi32>
      %convert_element_type3A_119 = arith.sitofp %convert_element_type3A_118 : vector<256x256xi32> to vector<256x256xf32>
      %mul3A_120 = arith.mulf %convert_element_type3A_119, %convert_element_type3A_4 : vector<256x256xf32>
      %while3A_121 = arith.constant true
      %while3A_122:2 = scf.while (%while3A_179 = %select_n3A_92, %while3A_180 = %while3A_121) : (vector<256x1xf32>, i1) -> (vector<256x1xf32>, i1) {
        scf.condition(%while3A_180) %while3A_179, %while3A_180 : vector<256x1xf32>, i1
      } do {
      ^bb0(%while3A_179: vector<256x1xf32>, %while3A_180: i1):
        %dot_general3A_181 = arith.constant dense<0.000000e+00> : vector<256x1xf32>
        %dot_general3A_182 = tpu.matmul %mul3A_120, %while3A_179, %dot_general3A_181 {dimension_numbers = #tpu.dot_dimension_numbers<[1], [0], [0], [1], [0, 0, 1, 1], [], []>, transpose_lhs_hint = false} : vector<256x256xf32>, vector<256x1xf32>, vector<256x1xf32> -> vector<256x1xf32>
        %gt3A_183 = arith.constant 5.000000e-01 : f32
        %gt3A_184 = vector.broadcast %gt3A_183 : f32 to vector<256x1xf32>
        %gt3A_185 = arith.cmpf ogt, %dot_general3A_182, %gt3A_184 : vector<256x1xf32>
        %jit3A_186 = arith.constant 0.000000e+00 : f32
        %broadcast_in_dim3A_187 = vector.broadcast %jit3A_186 : f32 to vector<256x1xf32>
        %select_n3A_188 = arith.select %gt3A_185, %broadcast_in_dim3A_187, %select_n3A_92 : vector<256x1xi1>, vector<256x1xf32>
        %sub3A_189 = arith.subf %select_n3A_188, %while3A_179 : vector<256x1xf32>
        %abs3A = math.absf %sub3A_189 : vector<256x1xf32>
        %reduce_sum3A_190 = vector.shape_cast %abs3A : vector<256x1xf32> to vector<1x256x1xf32>
        %reduce_sum3A_191 = arith.constant dense<0.000000e+00> : vector<1xf32>
        %reduce_sum3A_192 = vector.multi_reduction <add>, %reduce_sum3A_190, %reduce_sum3A_191 [1, 2] : vector<1x256x1xf32> to vector<1xf32>
        %reduce_sum3A_193 = vector.shape_cast %reduce_sum3A_192 : vector<1xf32> to vector<1x1x1xf32>
        %reduce_sum3A_194 = vector.extract %reduce_sum3A_193[0, 0, 0] : f32 from vector<1x1x1xf32>
        %gt3A_195 = arith.constant 0.000000e+00 : f32
        %gt3A_196 = arith.cmpf ogt, %reduce_sum3A_194, %gt3A_195 : f32
        scf.yield %select_n3A_188, %gt3A_196 : vector<256x1xf32>, i1
      }
      %dot_general3A = arith.constant dense<0.000000e+00> : vector<256x1xf32>
      %dot_general3A_123 = tpu.matmul %convert_element_type3A_6, %while3A_122#0, %dot_general3A {dimension_numbers = #tpu.dot_dimension_numbers<[1], [0], [0], [1], [0, 0, 1, 1], [], []>, transpose_lhs_hint = false} : vector<256x256xf32>, vector<256x1xf32>, vector<256x1xf32> -> vector<256x1xf32>
      %sub3A_124 = arith.subf %dot_general3A_123, %while3A_122#0 : vector<256x1xf32>
      %eq3A_125 = vector.broadcast %sub3A_124 : vector<256x1xf32> to vector<256x256xf32>
      %eq3A_126 = vector.broadcast %convert_element_type3A_10 : vector<1x256xf32> to vector<256x256xf32>
      %eq3A_127 = arith.cmpf oeq, %eq3A_125, %eq3A_126 : vector<256x256xf32>
      %gt3A_128 = arith.constant 5.000000e-01 : f32
      %gt3A_129 = vector.broadcast %gt3A_128 : f32 to vector<256x1xf32>
      %gt3A_130 = arith.cmpf ogt, %while3A_122#0, %gt3A_129 : vector<256x1xf32>
      %and3A_131 = vector.broadcast %gt3A_130 : vector<256x1xi1> to vector<256x256xi1>
      %and3A_132 = arith.andi %eq3A_127, %and3A_131 : vector<256x256xi1>
      %convert_element_type3A_133 = arith.extui %and3A_132 : vector<256x256xi1> to vector<256x256xi32>
      %convert_element_type3A_134 = arith.sitofp %convert_element_type3A_133 : vector<256x256xi32> to vector<256x256xf32>
      %concatenate3A = tpu.concatenate %get3A_20, %get3A_23, %get3A_26, %get3A_29, %mul3A in 0 : vector<1x256xf32>, vector<1x256xf32>, vector<1x256xf32>, vector<1x256xf32>, vector<1x256xf32> -> vector<5x256xf32>
      %dot_general3A_135 = arith.constant dense<0.000000e+00> : vector<5x256xf32>
      %dot_general3A_136 = tpu.matmul %concatenate3A, %convert_element_type3A_134, %dot_general3A_135 {dimension_numbers = #tpu.dot_dimension_numbers<[1], [0], [0], [1], [0, 0, 1, 1], [], []>, precision = #tpu.contract_precision<fp32>, transpose_lhs_hint = false} : vector<5x256xf32>, vector<256x256xf32>, vector<5x256xf32> -> vector<5x256xf32>
      %multiple_of3A = tpu.assume_multiple %scan3A_18, 128 : i32
      %swap3A_137 = arith.constant 0 : index
      %swap3A_138 = arith.index_cast %multiple_of3A : i32 to index
      %swap3A_139 = vector.load %arg6[%swap3A_137, %swap3A_138] : memref<8x32384xf32, #tpu.memory_space<vmem>>, vector<5x256xf32>
      tpu.vector_store %arg6[%swap3A_137, %swap3A_138], %dot_general3A_136 {strides = array<i32>} : memref<8x32384xf32, #tpu.memory_space<vmem>>, vector<5x256xf32>,
      %dot_general3A_140 = arith.constant dense<0.000000e+00> : vector<1x256xf32>
      %dot_general3A_141 = tpu.matmul %while3A_122#0, %convert_element_type3A_8, %dot_general3A_140 {dimension_numbers = #tpu.dot_dimension_numbers<[0], [0], [1], [1], [0, 1, 1, 1], [], []>, transpose_lhs_hint = false} : vector<256x1xf32>, vector<256x256xf32>, vector<1x256xf32> -> vector<1x256xf32>
      %swap3A_142 = arith.index_cast %scan3A_17 : i32 to index
      %swap3A_143 = arith.constant 0 : index
      %swap3A_144 = vector.load %arg5[%swap3A_142, %swap3A_143] : memref<79x256xf32, #tpu.memory_space<vmem>>, vector<1x256xf32>
      tpu.vector_store %arg5[%swap3A_142, %swap3A_143], %dot_general3A_141 {strides = array<i32>} : memref<79x256xf32, #tpu.memory_space<vmem>>, vector<1x256xf32>,
      %reduce_sum3A = vector.shape_cast %while3A_122#0 : vector<256x1xf32> to vector<1x256x1xf32>
      %reduce_sum3A_145 = arith.constant dense<0.000000e+00> : vector<1xf32>
      %reduce_sum3A_146 = vector.multi_reduction <add>, %reduce_sum3A, %reduce_sum3A_145 [1, 2] : vector<1x256x1xf32> to vector<1xf32>
      %reduce_sum3A_147 = vector.shape_cast %reduce_sum3A_146 : vector<1xf32> to vector<1x1x1xf32>
      %reduce_sum3A_148 = vector.extract %reduce_sum3A_147[0, 0, 0] : f32 from vector<1x1x1xf32>
      %convert_element_type3A_149 = arith.fptosi %reduce_sum3A_148 : f32 to i32
      %add3A_150 = arith.constant 127 : i32
      %add3A_151 = arith.addi %convert_element_type3A_149, %add3A_150 : i32
      %jit3A_152 = arith.constant 128 : i32
      %div3A_153 = arith.divsi %add3A_151, %jit3A_152 : i32
      %sign3A_154 = arith.constant 0 : i32
      %sign3A_155 = arith.cmpi sgt, %add3A_151, %sign3A_154 : i32
      %sign3A_156 = arith.extui %sign3A_155 : i1 to i32
      %sign3A_157 = arith.constant 0 : i32
      %sign3A_158 = arith.cmpi slt, %add3A_151, %sign3A_157 : i32
      %sign3A_159 = arith.extui %sign3A_158 : i1 to i32
      %sign3A_160 = arith.subi %sign3A_156, %sign3A_159 : i32
      %sign3A_161 = arith.constant 0 : i32
      %sign3A_162 = arith.cmpi sgt, %jit3A_152, %sign3A_161 : i32
      %sign3A_163 = arith.extui %sign3A_162 : i1 to i32
      %sign3A_164 = arith.constant 0 : i32
      %sign3A_165 = arith.cmpi slt, %jit3A_152, %sign3A_164 : i32
      %sign3A_166 = arith.extui %sign3A_165 : i1 to i32
      %sign3A_167 = arith.subi %sign3A_163, %sign3A_166 : i32
      %ne3A_168 = arith.cmpi ne, %sign3A_160, %sign3A_167 : i32
      %rem3A_169 = arith.remsi %add3A_151, %jit3A_152 : i32
      %ne3A_170 = arith.constant 0 : i32
      %ne3A_171 = arith.cmpi ne, %rem3A_169, %ne3A_170 : i32
      %and3A_172 = arith.andi %ne3A_168, %ne3A_171 : i1
      %sub3A_173 = arith.constant 1 : i32
      %sub3A_174 = arith.subi %div3A_153, %sub3A_173 : i32
      %select_n3A_175 = arith.select %and3A_172, %sub3A_174, %div3A_153 : i32
      %mul3A_176 = arith.constant 128 : i32
      %mul3A_177 = arith.muli %select_n3A_175, %mul3A_176 : i32
      %add3A_178 = arith.addi %scan3A_18, %mul3A_177 : i32
      scf.yield %add3A_178 : i32
    }
    %scan3A_16 = arith.constant 79 : i32
    return
  }
}

</mosaic_0001>

<sc_bundles>
// kernel: gather_offload_async_start.1
scs
__scs_entry_jumppad:
0x0: {  	(pc) =	sbr.rel $0x88, $3  }
0x1: {  	(tag) =	ssettag $0x0;
	lr =	simm.s32 $0x1  }
0x2: {  	[smem:$0x3F9F] =	sst lr;
	_ =	strace $0xD0000000  }
0x3: {  	_ = 	snop  }
0x4: {  	_ = 	snop  }
0x5: {  	_ = 	snop  }
0x6: {  	_ = 	snop  }
0x7: {  	_ = 	snop  }
__scs_overlays_trampoline_lowered:
0x8: {  	[smem:$0x3FAE] =	sst s0  }
0x9: {  	[smem:$0x3FAF] =	sst s1  }
0xa: {  	[smem:$0x3FB0] =	sst s2  }
0xb: {  	[smem:$0x3FB1] =	sst s3  }
0xc: {  	[smem:$0x3FB2] =	sst s4  }
0xd: {  	[smem:$0x3FB3] =	sst s5  }
0xe: {  	[smem:$0x3FB4] =	sst s6  }
0xf: {  	[smem:$0x3FB5] =	sst s7  }
0x10: {  	[smem:$0x3FB6] =	sst s8  }
0x11: {  	[smem:$0x3FB7] =	sst s9;
	s0 =	simm.s32 @!p0 $0x0  }
0x12: {  	s1 =	sld [smem:$0x3F9D];
	s0 =	simm.s32 @p0 $0x1  }
0x13: {  	[smem:$0x3FB8] =	sst s0;
	s0 =	simm.s32 @!p1 $0x0  }
0x14: {  	s2 =	sld [smem:$0x3F9C];
	s0 =	simm.s32 @p1 $0x1  }
0x15: {  	[smem:$0x3FB9] =	sst s0;
	s0 =	simm.s32 @!p2 $0x0  }
0x16: {  	s3 =	sld [smem:$0x3FDB];
	s0 =	simm.s32 @p2 $0x1  }
0x17: {  	s4 =	simm.s32 $0x1BF5;
	[smem:$0x3FBB] =	sst s0  }
0x18: {  	s0 =	sld [smem:$0x3F9E];
	_ =	swait.ge [sflag:s4], $0x0  }
0x19: {  	s7 =	sld [smem:$0x3F9F]  }
0x1a: {  	s8 =	sadd.s32 $0xFFFFE003, lr  }
0x1b: {  	s9 =	sadd.s32 $0xFFFFFEF7, lr;
	s5 =	simm.s32 $0xFFFFFFFF;
	p2 =	slt.u32 s8, $0xFFFFF086  }
0x1c: {  	p1 =	slt.u32 s9, $0xF7A;
	s5 =	simm.s32 @!p2 $0x0  }
0x1d: {  	s5 =	simm.s32 @p1 $0x1;
	p0 =	seq.s32 s7, s2  }
0x1e: {  	s7 =	smul.u32 @!p0 $0xF7A, s2;
	p2 =	seq.s32 @!p0 s5, $0x0  }
0x1f: {  	s9 =	smul.u32 $0xF7A, s1;
	s8 =	simm.s32 @!p0 $0x1BF5;
	p2 =	por !p2, p0  }
0x20: {  	[sflag:s8] =	ssyncset.s32 @!p0 $0xFFFFF086;
	s6 =	sadd.s32 @!p0 s3, s7;
	s7 =	simm.s32 @!p0 $0x108  }
0x21: {  	s3 =	sadd.s32 s3, s9;
	s6 =	sadd.s32 @!p0 $0x88, s6;
	s7 =	simm.s32 @p2 $0x1082  }
0x22: {  	[simem:s7], [sflag:s8] =	dma.local @!p0 [hbm:s6], $0xF7A  }
0x23: {  	s9 =	sor.u32 $0xD0000000, s2;
	s6 =	simm.s32 $0x108;
	_ =	swait.ge @!p0 [sflag:s8], $0x0  }
0x24: {  	s3 =	sadd.s32 $0x88, s3;
	s6 =	simm.s32 @!p1 $0x1082;
	[sflag:s4] =	ssyncset.s32 $0xFFFFF086  }
0x25: {  	[simem:s6], [sflag:s4] =	dma.local [hbm:s3], $0xF7A  }
0x26: {  	[smem:$0x3F9F] =	sst s1;
	(tag) =	ssettag s2;
	_ =	strace s9  }
0x27: {  	s1 =	sld [smem:$0x3FAF]  }
0x28: {  	s2 =	sld [smem:$0x3FB0]  }
0x29: {  	s4 =	sld [smem:$0x3FB2]  }
0x2a: {  	p0 =	seq.s32 s5, $0x0;
	s5 =	sld [smem:$0x3FB3]  }
0x2b: {  	s6 =	sld [smem:$0x3FB4]  }
0x2c: {  	s7 =	sld [smem:$0x3FB5]  }
0x2d: {  	s3 =	simm.s32 $0x108;
	s8 =	sld [smem:$0x3FB6]  }
0x2e: {  	s3 =	simm.s32 @!p0 $0x1082;
	s9 =	sld [smem:$0x3FB7]  }
0x2f: {  	lr =	sadd.s32 s0, s3;
	s0 =	sld [smem:$0x3FAE]  }
0x30: {  	s3 =	sld [smem:$0x3FB1]  }
0x31: {  	[smem:$0x3FBA] =	sst s10  }
0x32: {  	s10 =	sld [smem:$0x3FB8];
	_ =	sdelay $0x3  }
0x33: {  	p0 =	seq.s32 s10, $0x1;
	s10 =	sld [smem:$0x3FBA];
	_ =	sdelay $0x3  }
0x34: {  	[smem:$0x3FBA] =	sst s10  }
0x35: {  	s10 =	sld [smem:$0x3FB9];
	_ =	sdelay $0x3  }
0x36: {  	p1 =	seq.s32 s10, $0x1;
	s10 =	sld [smem:$0x3FBA];
	_ =	sdelay $0x3  }
0x37: {  	[smem:$0x3FBA] =	sst s10  }
0x38: {  	s10 =	sld [smem:$0x3FBB]  }
0x39: {  	_ = 	snop;
	(pc) =	sbr.ind lr, $3  }
0x3a: {  	_ = 	snop  }
0x3b: {  	_ = 	snop  }
0x3c: {  	p2 =	seq.s32 s10, $0x1;
	s10 =	sld [smem:$0x3FBA]  }
0x3d: {  	_ =	shalt  }
0x3e: {  	_ =	shalt  }
0x3f: {  	_ =	shalt  }
0x40: {  	_ =	shalt  }
0x41: {  	_ =	shalt  }
0x42: {  	_ =	shalt  }
0x43: {  	_ =	shalt  }
0x44: {  	_ =	shalt  }
0x45: {  	_ =	shalt  }
0x46: {  	_ =	shalt  }
0x47: {  	_ =	shalt  }
0x48: {  	_ =	shalt  }
0x49: {  	_ =	shalt  }
0x4a: {  	_ =	shalt  }
0x4b: {  	_ =	shalt  }
0x4c: {  	_ =	shalt  }
0x4d: {  	_ =	shalt  }
0x4e: {  	_ =	shalt  }
0x4f: {  	_ =	shalt  }
0x50: {  	_ =	shalt  }
0x51: {  	_ =	shalt  }
0x52: {  	_ =	shalt  }
0x53: {  	_ =	shalt  }
0x54: {  	_ =	shalt  }
0x55: {  	_ =	shalt  }
0x56: {  	_ =	shalt  }
0x57: {  	_ =	shalt  }
0x58: {  	_ =	shalt  }
0x59: {  	_ =	shalt  }
0x5a: {  	_ =	shalt  }
0x5b: {  	_ =	shalt  }
0x5c: {  	_ =	shalt  }
0x5d: {  	_ =	shalt  }
0x5e: {  	_ =	shalt  }
0x5f: {  	_ =	shalt  }
0x60: {  	_ =	shalt  }
0x61: {  	_ =	shalt  }
0x62: {  	_ =	shalt  }
0x63: {  	_ =	shalt  }
0x64: {  	_ =	shalt  }
0x65: {  	_ =	shalt  }
0x66: {  	_ =	shalt  }
0x67: {  	_ =	shalt  }
0x68: {  	_ =	shalt  }
0x69: {  	_ =	shalt  }
0x6a: {  	_ =	shalt  }
0x6b: {  	_ =	shalt  }
0x6c: {  	_ =	shalt  }
0x6d: {  	_ =	shalt  }
0x6e: {  	_ =	shalt  }
0x6f: {  	_ =	shalt  }
0x70: {  	_ =	shalt  }
0x71: {  	_ =	shalt  }
0x72: {  	_ =	shalt  }
0x73: {  	_ =	shalt  }
0x74: {  	_ =	shalt  }
0x75: {  	_ =	shalt  }
0x76: {  	_ =	shalt  }
0x77: {  	_ =	shalt  }
0x78: {  	_ =	shalt  }
0x79: {  	_ =	shalt  }
0x7a: {  	_ =	shalt  }
0x7b: {  	_ =	shalt  }
0x7c: {  	_ =	shalt  }
0x7d: {  	_ =	shalt  }
0x7e: {  	_ =	shalt  }
0x7f: {  	_ =	shalt  }
0x80: {  	_ =	shalt  }
0x81: {  	_ =	shalt  }
0x82: {  	_ =	shalt  }
0x83: {  	_ =	shalt  }
0x84: {  	_ =	shalt  }
0x85: {  	_ =	shalt  }
0x86: {  	_ =	shalt  }
0x87: {  	_ =	shalt  }
.Lfunc_end0:
.L_simem_size_0:
called_computation.1_lowered:
.L_overlay_start_0:
0x88: {  	s2 =	sld [smem:$0x3FD9]  }
0x89: {  	s3 =	sld [smem:$0x3FFE];
	_ =	sdelay $0x1  }
0x8a: {  	s1 =	srdreg.scid  }
0x8b: {  	s0 =	sand.u32 $0x1, s1  }
0x8c: {  	s17 =	sshll.u32 s0, $0xA;
	s2 =	sadd.s32 s3, s2  }
0x8d: {  	s2 =	sadd.s32 s2, s17  }
0x8e: {  	[smem:$0x3FC6] =	sst s2  }
0x8f: {  	_ = 	snop  }
0x90: {  	s2 =	sld [smem:$0x3FC8];
	(tm) =	ssettm $0x1  }
0x91: {  	s18 =	sld [smem:$0x3FFB];
	_ =	sdelay $0x3  }
0x92: {  	_ =	strace s18  }
0x93: {  	s3 =	sld [smem:$0x3FFC];
	_ =	sdelay $0x3  }
0x94: {  	_ =	strace s3  }
0x95: {  	s3 =	sld [smem:$0x3FFD];
	_ =	sdelay $0x3  }
0x96: {  	_ =	strace s3  }
0x97: {  	_ =	strace $0x8FFFFFFF  }
0x98: {  	s19 =	sld [smem:$0x3FDB];
	_ =	sdelay $0x1  }
0x99: {  	s4 =	simm.s32 $_scs_section_size  }
0x9a: {  	s5 =	simm.s32 $_size__tile_overlayer_lowered;
	s6 =	simm.s32 $_tile_overlayer_lowered  }
0x9b: {  	s22 =	simm.s32 $0x1BFF;
	s21 =	sshll.u32 s6, $0x1;
	s3 =	sadd.s32 s4, s19  }
0x9c: {  	s7 =	simm.s32 $0x0;
	s20 =	sshll.u32 s5, $0x1;
	s5 =	sadd.s32 s21, s3  }
0x9d: {  	[timem:s7], [sflag:s22] =	dma.local [hbm:s5], s20  }
0x9e: {  	_ =	swait.ge [sflag:s22], s20  }
0x9f: {  	s4 =	ssub.s32 $0x0, s20;
	[sflag:s22] =	ssyncset.done $0x0  }
0xa0: {  	[sflag:s22] =	ssyncadd.s32 s4;
	_ =	sdelay $0x1  }
0xa1: {  	s23 =	simm.s32 $0x1B8B  }
0xa2: {  	_ =	swait.ge [sflag:s23], $0x1  }
0xa3: {  	[sflag:s23] =	ssyncset.done $0x0  }
0xa4: {  	s25 =	simm.s32 $0x1B8E;
	s24 =	sld [smem:$0x3FFE];
	[sflag:s23] =	ssyncadd.s32 $0xFFFFFFFF  }
0xa5: {  	s26 =	simm.s32 $execute0_lowered;
	[smem:$0x3FD2] =	sst s25  }
0xa6: {  	s5 =	sshll.u32 s26, $0x1;
	_ =	strace $0x80000046;
	[dreg:$0x1] =	wrdreg $0xFFFFFFFF  }
0xa7: {  	s28 =	simm.s32 $_size_execute0_lowered;
	s3 =	sadd.s32 s3, s5;
	[dreg:$0x0] =	wrdreg $0x0  }
0xa8: {  	s5 =	sshll.u32 s28, $0x1;
	[dreg:$0x2] =	wrdreg s3  }
0xa9: {  	[dreg:$0x3] =	wrdreg s5  }
0xaa: {  	[dreg:$0x4] =	wrdreg $0xC0  }
0xab: {  	_ =	task [dreg:s7], $0x5FFFF  }
0xac: {  	[dreg:$0x1] =	wrdreg $0xFFFFFFFF  }
0xad: {  	[dreg:$0x0] =	wrdreg $0x60  }
0xae: {  	[dreg:$0x2] =	wrdreg s2  }
0xaf: {  	[dreg:$0x3] =	wrdreg s24  }
0xb0: {  	[dreg:$0x4] =	wrdreg $0x9  }
0xb1: {  	_ =	task.clear_ibuf [dreg:s7], $0x5FFFF;
	_ =	strace $0x90000046  }
0xb2: {  	s29 =	simm.s32 $0x9;
	_ =	strace $0x80000048  }
0xb3: {  	_ =	swait.ge [sflag:s29], $0x1  }
0xb4: {  	[sflag:s29] =	ssyncadd.s32 $0xFFFFFFFF  }
0xb5: {  	_ =	strace $0x90000048  }
0xb6: {  	_ =	sfence  }
0xb7: {  	s30 =	sld [smem:$0x0];
	_ =	sdelay $0x2  }
0xb8: {  	s31 =	sshll.u32 s1, $0xD;
	s1 =	sshrl.u32 s1, $0x2  }
0xb9: {  	s3 =	sand.u32 $0x4000, s31;
	s1 =	sadd.s32 s1, s30  }
0xba: {  	s0 =	sor.u32 s3, s0;
	s1 =	sshll.u32 s1, $0x11  }
0xbb: {  	s0 =	sor.u32 s1, s0  }
0xbc: {  	s0 =	sadd.s32 $0x8F2B, s0  }
0xbd: {  	[sflag:s0] =	ssyncadd.remote.s32 $0x1  }
0xbe: {  	_ =	sfence.sel $0xFFFF  }
0xbf: {  	[dreg:$0x0] =	wrdreg $0xFFFFFFFF;
	(pc) =	sbr.abs _section_cstart, $3  }
0xc0: {  	[dreg:$0x1] =	wrdreg $0xFFFFFFFF  }
0xc1: {  	_ =	task.clear_ibuf [dreg:s7], $0x2FFFF;
	_ =	strace $0x9FFFFFFF  }
0xc2: {  	(tm) =	ssettm $0x7FFFFFFF  }
0xc3: {  	_ =	shalt  }
tec
execute0_lowered:
.L_overlay_start_1:
0x0: {  	(tag) =	ssettag $0x1  }
0x1: {  	s2 =	rddreg [dreg:$0x0]  }
0x2: {  	s3 =	rddreg [dreg:$0x1];
	s1 =	stileid.u32  }
0x3: {  	s4 =	srdreg.scid;
	s0 =	rddreg [dreg:$0x2];
	_ =	strace $0x80000047  }
0x4: {  	s7 =	simm.s32 $0x1;
	s8 =	simm.s32 $0x1;
	s9 =	simm.s32 $0x3  }
0x5: {  	s10 =	simm.s32 $0x0;
	s5 =	sand.u32 $0x1, s4;
	s6 =	sshll.u32 s1, $0x1  }
0x6: {  	s13 =	simm.s32 $0x0;
	s4 =	simm.s32 $0x1;
	s5 =	sor.u32 s6, s5  }
.Ltmp0:
0x7: {  	[sflag:s4] =	ssyncpa.u1 $0x0;
	p0 =	slt.u32 s5, $0x13;
	(pc) =	sbr.rel .LBB2_1-.Ltmp0, $4  }
0x8: {  	s6 =	simm.s32 $0x2;
	s7 =	simm.s32 @!p0 $0x0;
	p0 =	sne.s32 s5, $0x12  }
0x9: {  	[sflag:s6] =	ssyncpa.u1 $0x0;
	s5 =	smul.u32 $0x190, s5;
	s8 =	simm.s32 @!p0 $0x0  }
0xa: {  	s12 =	simm.s32 $0x0;
	[sflag:s9] =	ssyncpa.u1 $0x0;
	s7 =	sadd.s32 s8, s7  }
0xb: {  	vm0 =	vmmov $0xffff;
	s8 =	sadd.s32 $0x4EC00, s3;
	s11 =	smov.u32 s5;
	s9 =	sadd.s32 $0x1, s7  }
.LBB2_4:
0xc: {  	v2 =	vnsel vm1, $0x0, v2  }
0xd: {  	vm1 =	vgt.s32 v0, $0x0;
	v2 =	vmin.u32 v2, $0x4E1F  }
0xe: {  	v0 =	vnsel vm1, $0x0, v0  }
0xf: {  	v0 =	vmin.u32 v0, $0x4E1F  }
0x10: {  	[tilespmem:s18], [sflag:$0x1] =	stream.indirect_vreg.gather [hbm4b:s2+s10], $0x1, v1, vm0, $0x4038;
	[tilespmem:$0x640] =	vst v63  }
0x11: {  	(ifvalue) =	ssetifvalue $0x7FFFFFFF  }
0x12: {  	[tilespmem:s15], [sflag:$0x1] =	stream.indirect_vreg.gather [hbm4b:s2+s10], $0x1, v2, vm0, $0x4038;
	[tilespmem:$0x640] =	vst v63  }
0x13: {  	s29 =	sadd.s32 $0x10, s15;
	(ifvalue) =	ssetifvalue $0x7FFFFFFF  }
0x14: {  	[tilespmem:s29], [sflag:$0x1] =	stream.indirect_vreg.gather [hbm4b:s2+s10], $0x1, v0, vm0, $0x4038;
	[tilespmem:$0x640] =	vst v63  }
0x15: {  	_ =	swait.ge [sflag:s4], $0x190  }
0x16: {  	s30 =	sshrl.u32 s13, $0x3;
	[sflag:s4] =	ssyncset.done $0x0  }
0x17: {  	s31 =	sand.u32 $0x7, s13;
	s15 =	sadd.s32 s8, s30;
	[sflag:s4] =	ssyncadd.s32 $0xFFFFFE70  }
0x18: {  	[hbm4b:s15+s31] =	stream.linear.scatter [tilespmem:s14], [sflag:$0x3], $0x190, $0x38;
	[tilespmem:$0x640] =	vst v63  }
.LBB2_5:
0x19: {  	s15 =	sadd.s32 $0x3200, s11  }
0x1a: {  	p1 =	sgt.s32 s15, $0x4E1F  }
0x1b: {  	s15 =	smov.u32 @p1 s5;
	p1 =	sne.s32 s12, s9  }
.Ltmp1:
0x1c: {  	p0 =	slt.u32 s12, $0x2;
	(pc) =	sbr.rel @!p1 .LBB2_6-.Ltmp1, $4  }
0x1d: {  	s14 =	simm.s32 @!p0 $0x3  }
0x1e: {  	_ =	swait.ge @!p0 [sflag:s14], $0x190  }
0x1f: {  	s16 =	sadd.s32 $0x1, s12;
	s13 =	smov.u32 s11;
	[sflag:s14] =	ssyncset.done @!p0 $0x0  }
0x20: {  	s12 =	smov.u32 s16;
	s11 =	smov.u32 s15;
	[sflag:s14] =	ssyncadd.s32 @!p0 $0xFFFFFE70  }
.LBB2_1:
0x21: {  	p0 =	sge.u32 s12, s7  }
0x22: {  	s14 =	sxor.u32 @!p0 $0x1, s12  }
0x23: {  	s14 =	smul.u32 @!p0 $0x640, s14  }
0x24: {  	s31 =	sadd.s32 $0xFFFFFFFF, s12;
	s15 =	sshrl.u32 @!p0 s11, $0x3  }
0x25: {  	s16 =	sand.u32 @!p0 $0x7, s11;
	s15 =	sadd.s32 @!p0 s3, s15;
	s14 =	sshra.s32 @!p0 s14, $0x2  }
0x26: {  	[tilespmem:s14], [sflag:$0x2] =	stream.linear.gather @!p0 [hbm4b:s15+s16], $0x190, $0x38;
	[tilespmem:$0x640] =	vst v63  }
0x27: {  	p0 =	sge.u32 s31, s7  }
.Ltmp2:
0x28: {  	_ = 	snop;
	(pc) =	sbr.rel @p0 .LBB2_5-.Ltmp2, $1  }
0x29: {  	_ =	sdelay $0x3  }
0x2a: {  	s14 =	sand.u32 $0x1, s12  }
0x2b: {  	_ =	swait.ge [sflag:s6], $0x190;
	p0 =	seq.s32 s14, $0x1;
	s14 =	simm.s32 $0x190  }
0x2c: {  	[sflag:s6] =	ssyncset.done $0x0;
	s14 =	simm.s32 @!p0 $0x0  }
0x2d: {  	[sflag:s6] =	ssyncadd.s32 $0xFFFFFE70;
	(ifvalue) =	ssetifvalue $0x7FFFFFFF;
	v0 =	vld.msk [tilespmem:s14+$0x0 ss:$0x1], $0xffff;
	_ =	sdelay $0x4  }
0x2e: {  	s15 =	sadd.s32 $0x10, s14;
	vm1 =	vgt.s32 v0, $0x0  }
0x2f: {  	v2 =	vld.msk [tilespmem:s15+$0x0 ss:$0x1], $0xffff;
	v1 =	vnsel vm1, $0x0, v0  }
0x30: {  	v1 =	vmin.u32 v1, $0x4E1F;
	_ =	sdelay $0x2  }
0x31: {  	s17 =	simm.s32 $0x20;
	s14 =	sadd.s32 $0x320, s14;
	s16 =	sadd.s32 $0x10, s15  }
0x32: {  	s15 =	sadd.s32 $0x10, s14;
	s18 =	smov.u32 s14;
	v0 =	vld.msk [tilespmem:s16+$0x0 ss:$0x1], $0xffff;
	vm1 =	vgt.s32 v2, $0x0;
	(ifvalue) =	ssetifvalue $0x7FFFFFFF  }
.LBB2_3:
0x33: {  	[tilespmem:s18], [sflag:$0x1] =	stream.indirect_vreg.gather [hbm4b:s2+s10], $0x1, v1, vm0, $0x4038;
	[tilespmem:$0x640] =	vst v63  }
0x34: {  	s17 =	sadd.s32 $0x10, s17  }
0x35: {  	v2 =	vnsel vm1, $0x0, v2;
	p0 =	slt.u32 s17, $0x180  }
.Ltmp3:
0x36: {  	s18 =	smov.u32 s15;
	v1 =	vmin.u32 v2, $0x4E1F;
	(pc) =	sbr.rel @p0 .LBB2_3-.Ltmp3, $3  }
0x37: {  	_ =	sdelay $0x1  }
0x38: {  	s16 =	sadd.s32 $0x10, s16  }
0x39: {  	vm1 =	vgt.s32 v0, $0x0;
	s15 =	sadd.s32 $0x10, s15;
	v2 =	vmov v0;
	(ifvalue) =	ssetifvalue $0x7FFFFFFF;
	v0 =	vld.msk [tilespmem:s16+$0x0 ss:$0x1], $0xffff  }
.Ltmp4:
0x3a: {  	_ = 	snop;
	(pc) =	sbr.rel .LBB2_4-.Ltmp4, $1  }
0x3b: {  	_ =	sdelay $0x3  }
.LBB2_6:
0x3c: {  	_ =	sfence.sel $0x180000  }
0x3d: {  	s2 =	simm.s32 $0x2;
	[bflag:$0x0] =	sbarrier.arrive $0xFFFF  }
0x3e: {  	s30 =	simm.s32 $0x3;
	[sflag:s2] =	ssyncpa.u1 $0x1  }
0x3f: {  	s31 =	simm.s32 $0x1;
	[sflag:s30] =	ssyncpa.u1 $0x1  }
0x40: {  	[sflag:s31] =	ssyncpa.u1 $0x1  }
0x41: {  	p0 =	sne.s32 s1, $0x0;
	_ =	strace $0x90000047  }
0x42: {  	s0 =	sadd.s32 @!p0 $0x100000, s0;
	[bflag:$0x2] =	sbarrier.arrive $0xFFFF  }
0x43: {  	[sflag:s0] =	ssyncadd.tile.s32 @!p0 $0x1;
	_ =	shalt  }
.Lfunc_end2:
_tile_overlayer_lowered:
.L_overlay_start_2:
0x44: {  	(tag) =	ssettag $0x2  }
0x45: {  	s0 =	rddreg [dreg:$0x0];
	s2 =	stileid.u32  }
0x46: {  	s1 =	rddreg [dreg:$0x1];
	p0 =	sne.s32 s2, $0x0  }
0x47: {  	s3 =	rddreg [dreg:$0x2];
	[bflag:$0x3] =	sbarrier.arrive $0xFFFF;
	s2 =	simm.s32 @!p0 $0x1C01  }
0x48: {  	[timem:s3], [sflag:s2] =	dma.local @!p0 [hbm:s0], s1  }
0x49: {  	s0 =	simm.s32 @!p0 $0x1  }
0x4a: {  	_ =	swait.ge @!p0 [sflag:s0], s1  }
0x4b: {  	s1 =	ssub.s32 @!p0 $0x0, s1;
	[sflag:s0] =	ssyncset.done @!p0 $0x0  }
0x4c: {  	[sflag:s0] =	ssyncadd.s32 @!p0 s1  }
0x4d: {  	[bflag:$0x3] =	sbarrier.arrive $0xFFFF  }
0x4e: {  	_ =	shalt  }

// kernel: gather_offload_async_start
scs
__scs_entry_jumppad:
0x0: {  	(pc) =	sbr.rel $0x88, $3  }
0x1: {  	(tag) =	ssettag $0x0;
	lr =	simm.s32 $0x1  }
0x2: {  	[smem:$0x3F9F] =	sst lr;
	_ =	strace $0xD0000000  }
0x3: {  	_ = 	snop  }
0x4: {  	_ = 	snop  }
0x5: {  	_ = 	snop  }
0x6: {  	_ = 	snop  }
0x7: {  	_ = 	snop  }
__scs_overlays_trampoline_lowered:
0x8: {  	[smem:$0x3FAE] =	sst s0  }
0x9: {  	[smem:$0x3FAF] =	sst s1  }
0xa: {  	[smem:$0x3FB0] =	sst s2  }
0xb: {  	[smem:$0x3FB1] =	sst s3  }
0xc: {  	[smem:$0x3FB2] =	sst s4  }
0xd: {  	[smem:$0x3FB3] =	sst s5  }
0xe: {  	[smem:$0x3FB4] =	sst s6  }
0xf: {  	[smem:$0x3FB5] =	sst s7  }
0x10: {  	[smem:$0x3FB6] =	sst s8  }
0x11: {  	[smem:$0x3FB7] =	sst s9;
	s0 =	simm.s32 @!p0 $0x0  }
0x12: {  	s1 =	sld [smem:$0x3F9D];
	s0 =	simm.s32 @p0 $0x1  }
0x13: {  	[smem:$0x3FB8] =	sst s0;
	s0 =	simm.s32 @!p1 $0x0  }
0x14: {  	s2 =	sld [smem:$0x3F9C];
	s0 =	simm.s32 @p1 $0x1  }
0x15: {  	[smem:$0x3FB9] =	sst s0;
	s0 =	simm.s32 @!p2 $0x0  }
0x16: {  	s3 =	sld [smem:$0x3FDB];
	s0 =	simm.s32 @p2 $0x1  }
0x17: {  	s4 =	simm.s32 $0x1BF5;
	[smem:$0x3FBB] =	sst s0  }
0x18: {  	s0 =	sld [smem:$0x3F9E];
	_ =	swait.ge [sflag:s4], $0x0  }
0x19: {  	s7 =	sld [smem:$0x3F9F]  }
0x1a: {  	s8 =	sadd.s32 $0xFFFFE003, lr  }
0x1b: {  	s9 =	sadd.s32 $0xFFFFFEF7, lr;
	s5 =	simm.s32 $0xFFFFFFFF;
	p2 =	slt.u32 s8, $0xFFFFF086  }
0x1c: {  	p1 =	slt.u32 s9, $0xF7A;
	s5 =	simm.s32 @!p2 $0x0  }
0x1d: {  	s5 =	simm.s32 @p1 $0x1;
	p0 =	seq.s32 s7, s2  }
0x1e: {  	s7 =	smul.u32 @!p0 $0xF7A, s2;
	p2 =	seq.s32 @!p0 s5, $0x0  }
0x1f: {  	s9 =	smul.u32 $0xF7A, s1;
	s8 =	simm.s32 @!p0 $0x1BF5;
	p2 =	por !p2, p0  }
0x20: {  	[sflag:s8] =	ssyncset.s32 @!p0 $0xFFFFF086;
	s6 =	sadd.s32 @!p0 s3, s7;
	s7 =	simm.s32 @!p0 $0x108  }
0x21: {  	s3 =	sadd.s32 s3, s9;
	s6 =	sadd.s32 @!p0 $0x88, s6;
	s7 =	simm.s32 @p2 $0x1082  }
0x22: {  	[simem:s7], [sflag:s8] =	dma.local @!p0 [hbm:s6], $0xF7A  }
0x23: {  	s9 =	sor.u32 $0xD0000000, s2;
	s6 =	simm.s32 $0x108;
	_ =	swait.ge @!p0 [sflag:s8], $0x0  }
0x24: {  	s3 =	sadd.s32 $0x88, s3;
	s6 =	simm.s32 @!p1 $0x1082;
	[sflag:s4] =	ssyncset.s32 $0xFFFFF086  }
0x25: {  	[simem:s6], [sflag:s4] =	dma.local [hbm:s3], $0xF7A  }
0x26: {  	[smem:$0x3F9F] =	sst s1;
	(tag) =	ssettag s2;
	_ =	strace s9  }
0x27: {  	s1 =	sld [smem:$0x3FAF]  }
0x28: {  	s2 =	sld [smem:$0x3FB0]  }
0x29: {  	s4 =	sld [smem:$0x3FB2]  }
0x2a: {  	p0 =	seq.s32 s5, $0x0;
	s5 =	sld [smem:$0x3FB3]  }
0x2b: {  	s6 =	sld [smem:$0x3FB4]  }
0x2c: {  	s7 =	sld [smem:$0x3FB5]  }
0x2d: {  	s3 =	simm.s32 $0x108;
	s8 =	sld [smem:$0x3FB6]  }
0x2e: {  	s3 =	simm.s32 @!p0 $0x1082;
	s9 =	sld [smem:$0x3FB7]  }
0x2f: {  	lr =	sadd.s32 s0, s3;
	s0 =	sld [smem:$0x3FAE]  }
0x30: {  	s3 =	sld [smem:$0x3FB1]  }
0x31: {  	[smem:$0x3FBA] =	sst s10  }
0x32: {  	s10 =	sld [smem:$0x3FB8];
	_ =	sdelay $0x3  }
0x33: {  	p0 =	seq.s32 s10, $0x1;
	s10 =	sld [smem:$0x3FBA];
	_ =	sdelay $0x3  }
0x34: {  	[smem:$0x3FBA] =	sst s10  }
0x35: {  	s10 =	sld [smem:$0x3FB9];
	_ =	sdelay $0x3  }
0x36: {  	p1 =	seq.s32 s10, $0x1;
	s10 =	sld [smem:$0x3FBA];
	_ =	sdelay $0x3  }
0x37: {  	[smem:$0x3FBA] =	sst s10  }
0x38: {  	s10 =	sld [smem:$0x3FBB]  }
0x39: {  	_ = 	snop;
	(pc) =	sbr.ind lr, $3  }
0x3a: {  	_ = 	snop  }
0x3b: {  	_ = 	snop  }
0x3c: {  	p2 =	seq.s32 s10, $0x1;
	s10 =	sld [smem:$0x3FBA]  }
0x3d: {  	_ =	shalt  }
0x3e: {  	_ =	shalt  }
0x3f: {  	_ =	shalt  }
0x40: {  	_ =	shalt  }
0x41: {  	_ =	shalt  }
0x42: {  	_ =	shalt  }
0x43: {  	_ =	shalt  }
0x44: {  	_ =	shalt  }
0x45: {  	_ =	shalt  }
0x46: {  	_ =	shalt  }
0x47: {  	_ =	shalt  }
0x48: {  	_ =	shalt  }
0x49: {  	_ =	shalt  }
0x4a: {  	_ =	shalt  }
0x4b: {  	_ =	shalt  }
0x4c: {  	_ =	shalt  }
0x4d: {  	_ =	shalt  }
0x4e: {  	_ =	shalt  }
0x4f: {  	_ =	shalt  }
0x50: {  	_ =	shalt  }
0x51: {  	_ =	shalt  }
0x52: {  	_ =	shalt  }
0x53: {  	_ =	shalt  }
0x54: {  	_ =	shalt  }
0x55: {  	_ =	shalt  }
0x56: {  	_ =	shalt  }
0x57: {  	_ =	shalt  }
0x58: {  	_ =	shalt  }
0x59: {  	_ =	shalt  }
0x5a: {  	_ =	shalt  }
0x5b: {  	_ =	shalt  }
0x5c: {  	_ =	shalt  }
0x5d: {  	_ =	shalt  }
0x5e: {  	_ =	shalt  }
0x5f: {  	_ =	shalt  }
0x60: {  	_ =	shalt  }
0x61: {  	_ =	shalt  }
0x62: {  	_ =	shalt  }
0x63: {  	_ =	shalt  }
0x64: {  	_ =	shalt  }
0x65: {  	_ =	shalt  }
0x66: {  	_ =	shalt  }
0x67: {  	_ =	shalt  }
0x68: {  	_ =	shalt  }
0x69: {  	_ =	shalt  }
0x6a: {  	_ =	shalt  }
0x6b: {  	_ =	shalt  }
0x6c: {  	_ =	shalt  }
0x6d: {  	_ =	shalt  }
0x6e: {  	_ =	shalt  }
0x6f: {  	_ =	shalt  }
0x70: {  	_ =	shalt  }
0x71: {  	_ =	shalt  }
0x72: {  	_ =	shalt  }
0x73: {  	_ =	shalt  }
0x74: {  	_ =	shalt  }
0x75: {  	_ =	shalt  }
0x76: {  	_ =	shalt  }
0x77: {  	_ =	shalt  }
0x78: {  	_ =	shalt  }
0x79: {  	_ =	shalt  }
0x7a: {  	_ =	shalt  }
0x7b: {  	_ =	shalt  }
0x7c: {  	_ =	shalt  }
0x7d: {  	_ =	shalt  }
0x7e: {  	_ =	shalt  }
0x7f: {  	_ =	shalt  }
0x80: {  	_ =	shalt  }
0x81: {  	_ =	shalt  }
0x82: {  	_ =	shalt  }
0x83: {  	_ =	shalt  }
0x84: {  	_ =	shalt  }
0x85: {  	_ =	shalt  }
0x86: {  	_ =	shalt  }
0x87: {  	_ =	shalt  }
.Lfunc_end0:
.L_simem_size_0:
called_computation_lowered:
.L_overlay_start_0:
0x88: {  	s2 =	sld [smem:$0x3FD9]  }
0x89: {  	s3 =	sld [smem:$0x3FFE];
	_ =	sdelay $0x1  }
0x8a: {  	s1 =	srdreg.scid  }
0x8b: {  	s0 =	sand.u32 $0x1, s1  }
0x8c: {  	s16 =	sshll.u32 s0, $0xA;
	s2 =	sadd.s32 s3, s2  }
0x8d: {  	s2 =	sadd.s32 s2, s16  }
0x8e: {  	[smem:$0x3FC6] =	sst s2  }
0x8f: {  	_ = 	snop  }
0x90: {  	(tm) =	ssettm $0x1  }
0x91: {  	s17 =	sld [smem:$0x3FFB];
	_ =	sdelay $0x3  }
0x92: {  	_ =	strace s17  }
0x93: {  	s2 =	sld [smem:$0x3FFC];
	_ =	sdelay $0x3  }
0x94: {  	_ =	strace s2  }
0x95: {  	s2 =	sld [smem:$0x3FFD];
	_ =	sdelay $0x3  }
0x96: {  	_ =	strace s2  }
0x97: {  	_ =	strace $0x8FFFFFFF  }
0x98: {  	s18 =	sld [smem:$0x3FDB];
	_ =	sdelay $0x1  }
0x99: {  	s19 =	simm.s32 $_scs_section_size  }
0x9a: {  	s4 =	simm.s32 $_size__tile_overlayer_lowered;
	s5 =	simm.s32 $_tile_overlayer_lowered  }
0x9b: {  	s22 =	simm.s32 $0x1BFF;
	s21 =	sshll.u32 s5, $0x1;
	s2 =	sadd.s32 s19, s18  }
0x9c: {  	s6 =	simm.s32 $0x0;
	s20 =	sshll.u32 s4, $0x1;
	s4 =	sadd.s32 s21, s2  }
0x9d: {  	[timem:s6], [sflag:s22] =	dma.local [hbm:s4], s20  }
0x9e: {  	_ =	swait.ge [sflag:s22], s20  }
0x9f: {  	s3 =	ssub.s32 $0x0, s20;
	[sflag:s22] =	ssyncset.done $0x0  }
0xa0: {  	[sflag:s22] =	ssyncadd.s32 s3;
	_ =	sdelay $0x1  }
0xa1: {  	s23 =	simm.s32 $0x1B8B  }
0xa2: {  	_ =	swait.ge [sflag:s23], $0x1  }
0xa3: {  	[sflag:s23] =	ssyncset.done $0x0  }
0xa4: {  	s25 =	simm.s32 $0x1B8E;
	s24 =	sld [smem:$0x3FFE];
	[sflag:s23] =	ssyncadd.s32 $0xFFFFFFFF  }
0xa5: {  	s26 =	simm.s32 $execute0_lowered;
	[smem:$0x3FD2] =	sst s25  }
0xa6: {  	s4 =	sshll.u32 s26, $0x1;
	_ =	strace $0x80000049;
	[dreg:$0x1] =	wrdreg $0xFFFFFFFF  }
0xa7: {  	s28 =	simm.s32 $_size_execute0_lowered;
	s2 =	sadd.s32 s2, s4;
	[dreg:$0x0] =	wrdreg $0x0  }
0xa8: {  	s4 =	sshll.u32 s28, $0x1;
	[dreg:$0x2] =	wrdreg s2  }
0xa9: {  	[dreg:$0x3] =	wrdreg s4  }
0xaa: {  	[dreg:$0x4] =	wrdreg $0xC0  }
0xab: {  	_ =	task [dreg:s6], $0x5FFFF  }
0xac: {  	[dreg:$0x1] =	wrdreg $0xFFFFFFFF  }
0xad: {  	[dreg:$0x0] =	wrdreg $0x60  }
0xae: {  	[dreg:$0x2] =	wrdreg s24  }
0xaf: {  	[dreg:$0x3] =	wrdreg $0x9  }
0xb0: {  	_ =	task.clear_ibuf [dreg:s6], $0x4FFFF;
	_ =	strace $0x90000049  }
0xb1: {  	s29 =	simm.s32 $0x9;
	_ =	strace $0x8000004B  }
0xb2: {  	_ =	swait.ge [sflag:s29], $0x1  }
0xb3: {  	[sflag:s29] =	ssyncadd.s32 $0xFFFFFFFF  }
0xb4: {  	_ =	strace $0x9000004B  }
0xb5: {  	_ =	sfence  }
0xb6: {  	s30 =	sld [smem:$0x0];
	_ =	sdelay $0x2  }
0xb7: {  	s31 =	sshll.u32 s1, $0xD;
	s1 =	sshrl.u32 s1, $0x2  }
0xb8: {  	s3 =	sand.u32 $0x4000, s31;
	s1 =	sadd.s32 s1, s30  }
0xb9: {  	s0 =	sor.u32 s3, s0;
	s1 =	sshll.u32 s1, $0x11  }
0xba: {  	s0 =	sor.u32 s1, s0  }
0xbb: {  	s0 =	sadd.s32 $0x8F2B, s0  }
0xbc: {  	[sflag:s0] =	ssyncadd.remote.s32 $0x1  }
0xbd: {  	_ =	sfence.sel $0xFFFF  }
0xbe: {  	[dreg:$0x0] =	wrdreg $0xFFFFFFFF;
	(pc) =	sbr.abs _section_cstart, $3  }
0xbf: {  	[dreg:$0x1] =	wrdreg $0xFFFFFFFF  }
0xc0: {  	_ =	task.clear_ibuf [dreg:s6], $0x2FFFF;
	_ =	strace $0x9FFFFFFF  }
0xc1: {  	(tm) =	ssettm $0x7FFFFFFF  }
tec
execute0_lowered:
.L_overlay_start_1:
0x0: {  	(tag) =	ssettag $0x1  }
0x1: {  	s0 =	srdreg.scid  }
0x2: {  	s1 =	sshll.u32 s0, $0x4  }
0x3: {  	s0 =	stileid.u32;
	s1 =	sand.u32 $0x10, s1  }
0x4: {  	s2 =	sor.u32 s0, s1  }
0x5: {  	s1 =	smin.u32 s2, $0x12  }
0x6: {  	s1 =	sadd.s32 s2, s1  }
0x7: {  	p0 =	slt.u32 s2, $0x12;
	s2 =	simm.s32 $0x320;
	s1 =	smul.u32 $0x190, s1  }
0x8: {  	s2 =	simm.s32 @!p0 $0x190  }
0x9: {  	s2 =	sadd.s32 s2, s1  }
0xa: {  	s3 =	smin.u32 s2, $0x4E20  }
0xb: {  	s7 =	ssub.s32 s3, s1  }
0xc: {  	p0 =	sgt.s32 s7, $0x0  }
0xd: {  	s7 =	simm.s32 @!p0 $0x0  }
0xe: {  	s31 =	sand.u32 $0xFFF0, s7  }
0xf: {  	s2 =	sshrl.u32 s31, $0x4  }
0x10: {  	s2 =	smul.u32 $0xA3E, s2  }
0x11: {  	s4 =	rddreg [dreg:$0x0];
	s6 =	simm.s32 $0x1  }
0x12: {  	s10 =	simm.s32 $0x3;
	s13 =	simm.s32 $0x0;
	s8 =	sshrl.u32 s2, $0x10  }
0x13: {  	s12 =	simm.s32 $0x0;
	s5 =	sadd.s32 $0xA00, s4;
	s9 =	smul.u32 $0x190, s8  }
.Ltmp0:
0x14: {  	s11 =	smov.u32 s1;
	s2 =	rddreg [dreg:$0x1];
	(pc) =	sbr.rel .LBB2_1-.Ltmp0, $4  }
0x15: {  	_ =	strace $0x8000004A;
	p0 =	sne.s32 s7, s9;
	s9 =	simm.s32 $0x1  }
0x16: {  	[sflag:s6] =	ssyncpa.u1 $0x0;
	s7 =	simm.s32 $0x2;
	s9 =	simm.s32 @!p0 $0x0  }
0x17: {  	[sflag:s7] =	ssyncpa.u1 $0x0;
	p0 =	por $0x0, $0x0;
	s8 =	sadd.s32 s8, s9  }
0x18: {  	vm0 =	vmmov $0xff;
	vm1 =	vcmask $0x3F20;
	s9 =	sadd.s32 $0x4EC00, s4;
	[sflag:s10] =	ssyncpa.u1 $0x0;
	s10 =	sadd.s32 $0x1, s8  }
.LBB2_6:
0x19: {  	[hbm:s17] =	stream.linear.scatter [tilespmem:s14], [sflag:$0x3], $0x400, $0x38;
	[tilespmem:$0x19320] =	vst v63  }
.LBB2_7:
0x1a: {  	s13 =	sadd.s32 $0x190, s11  }
0x1b: {  	s15 =	smov.u32 s1;
	p2 =	slt.s32 s13, s3  }
0x1c: {  	s15 =	smov.u32 @p2 s13;
	p2 =	sne.s32 s12, s10  }
.Ltmp1:
0x1d: {  	p1 =	slt.u32 s12, $0x2;
	(pc) =	sbr.rel @!p2 .LBB2_8-.Ltmp1, $4  }
0x1e: {  	s14 =	simm.s32 @!p1 $0x3  }
0x1f: {  	s16 =	sadd.s32 $0x1, s12;
	_ =	swait.ge @!p1 [sflag:s14], $0xC800  }
0x20: {  	p0 =	por !p0, !p0;
	s13 =	smov.u32 s11;
	[sflag:s14] =	ssyncset.done @!p1 $0x0  }
0x21: {  	s12 =	smov.u32 s16;
	s11 =	smov.u32 s15;
	[sflag:s14] =	ssyncadd.s32 @!p1 $0xFFFF3800  }
.LBB2_1:
0x22: {  	p1 =	sge.u32 s12, s8  }
0x23: {  	s14 =	sxor.u32 @!p1 $0xFFFFFFFF, s12  }
0x24: {  	s14 =	sand.u32 @!p1 $0x1, s14  }
0x25: {  	s14 =	smul.u32 @!p1 $0x640, s14  }
0x26: {  	s31 =	sadd.s32 $0xFFFFFFFF, s12;
	s15 =	sshrl.u32 @!p1 s11, $0x3  }
0x27: {  	s16 =	sand.u32 @!p1 $0x7, s11;
	s15 =	sadd.s32 @!p1 s4, s15;
	s14 =	sshrl.u32 @!p1 s14, $0x2  }
0x28: {  	[tilespmem:s14], [sflag:$0x2] =	stream.linear.gather @!p1 [hbm4b:s15+s16], $0x190, $0x38;
	[tilespmem:$0x19320] =	vst v63  }
0x29: {  	p1 =	sge.u32 s31, s8  }
.Ltmp2:
0x2a: {  	_ = 	snop;
	(pc) =	sbr.rel @p1 .LBB2_7-.Ltmp2, $1  }
0x2b: {  	_ =	sdelay $0x3  }
0x2c: {  	s14 =	simm.s32 $0x1  }
0x2d: {  	s14 =	simm.s32 @!p0 $0x0  }
0x2e: {  	s15 =	smul.u32 $0x640, s14  }
0x2f: {  	_ =	swait.ge [sflag:s7], $0x190  }
0x30: {  	[sflag:s7] =	ssyncset.done $0x0;
	s16 =	sshrl.u32 s15, $0x2  }
0x31: {  	[sflag:s7] =	ssyncadd.s32 $0xFFFFFE70;
	s15 =	sadd.s32 $0x0, s16  }
0x32: {  	v0 =	vld.msk [tilespmem:s15+$0x0 ss:$0x1], $0xffff;
	_ =	sdelay $0x4  }
0x33: {  	vm2 =	vgt.s32 v0, $0x0  }
0x34: {  	v0 =	vnsel vm2, $0x0, v0  }
0x35: {  	v0 =	vmin.u32 v0, $0x4E1F  }
0x36: {  	v0 =	vshll.u32 v0, $0x4  }
0x37: {  	s14 =	smul.u32 $0x32000, s14;
	_ =	sdelay $0x1  }
0x38: {  	s14 =	sshrl.u32 s14, $0x2  }
0x39: {  	s14 =	sor.u32 $0x320, s14  }
0x3a: {  	[tilespmem:s14], [sflag:$0x1] =	stream.indirect_vreg.gather [hbm:s5], $0x80, v0, vm0, $0x38;
	[tilespmem:$0x19320] =	vst v63  }
0x3b: {  	s17 =	sadd.s32 $0x10, s16;
	s15 =	sadd.s32 $0x400, s14  }
0x3c: {  	[tilespmem:s15], [sflag:$0x1] =	stream.indirect_vreg.gather [hbm:s5], $0x80, v0, vm1, $0x38;
	[tilespmem:$0x19320] =	vst v63  }
0x3d: {  	s18 =	simm.s32 $0x80;
	v0 =	vld.msk [tilespmem:s17+$0x0 ss:$0x1], $0xffff;
	s17 =	smov.u32 s14  }
.LBB2_3:
0x3e: {  	p1 =	sne.s32 s18, $0x600;
	_ =	sdelay $0x4  }
0x3f: {  	vm2 =	vgt.s32 v0, $0x0  }
0x40: {  	v0 =	vnsel vm2, $0x0, v0  }
0x41: {  	v0 =	vmin.u32 v0, $0x4E1F  }
0x42: {  	v0 =	vshll.u32 v0, $0x4;
	_ =	sdelay $0x3  }
.Ltmp3:
0x43: {  	s19 =	sshra.s32 s18, $0x2;
	s17 =	sadd.s32 $0x800, s17;
	(pc) =	sbr.rel @p1 .LBB2_3-.Ltmp3, $4  }
0x44: {  	[tilespmem:s17], [sflag:$0x1] =	stream.indirect_vreg.gather [hbm:s5], $0x80, v0, vm0, $0x38;
	[tilespmem:$0x19320] =	vst v63  }
0x45: {  	s19 =	sadd.s32 s19, s16;
	s20 =	sadd.s32 $0x400, s17  }
0x46: {  	[tilespmem:s20], [sflag:$0x1] =	stream.indirect_vreg.gather [hbm:s5], $0x80, v0, vm1, $0x38;
	[tilespmem:$0x19320] =	vst v63  }
0x47: {  	s18 =	sadd.s32 $0x40, s18;
	v0 =	vld.msk [tilespmem:s19+$0x0 ss:$0x1], $0xffff  }
0x48: {  	_ =	sdelay $0x3  }
0x49: {  	vm2 =	vgt.s32 v0, $0x0  }
0x4a: {  	v0 =	vnsel vm2, $0x0, v0  }
0x4b: {  	v0 =	vmin.u32 v0, $0x4E1F  }
0x4c: {  	v0 =	vshll.u32 v0, $0x4;
	_ =	sdelay $0x3  }
0x4d: {  	s16 =	sadd.s32 $0x800, s17  }
0x4e: {  	[tilespmem:s16], [sflag:$0x1] =	stream.indirect_vreg.gather [hbm:s5], $0x80, v0, vm0, $0x38;
	[tilespmem:$0x19320] =	vst v63  }
0x4f: {  	s16 =	sadd.s32 $0x400, s16  }
0x50: {  	[tilespmem:s16], [sflag:$0x1] =	stream.indirect_vreg.gather [hbm:s5], $0x80, v0, vm1, $0x38;
	[tilespmem:$0x19320] =	vst v63  }
0x51: {  	s13 =	sshll.u32 s13, $0x4;
	_ =	swait.ge [sflag:s6], $0xC800  }
0x52: {  	s13 =	sadd.s32 s13, s9;
	[sflag:s6] =	ssyncset.done $0x0  }
0x53: {  	s17 =	sadd.s32 $0x0, s13;
	s16 =	simm.s32 $0x80;
	[sflag:s6] =	ssyncadd.s32 $0xFFFF3800  }
.LBB2_5:
0x54: {  	[hbm:s17] =	stream.linear.scatter [tilespmem:s14], [sflag:$0x3], $0x400, $0x38;
	[tilespmem:$0x19320] =	vst v63  }
0x55: {  	s17 =	smov.u32 s16;
	s14 =	smov.u32 s15;
	p1 =	sne.s32 s16, $0x1880  }
.Ltmp4:
0x56: {  	s16 =	sadd.s32 $0x80, s16;
	(pc) =	sbr.rel @p1 .LBB2_5-.Ltmp4, $2  }
0x57: {  	_ =	sdelay $0x2  }
0x58: {  	s15 =	sadd.s32 $0x400, s15;
	s17 =	sadd.s32 s17, s13  }
.Ltmp5:
0x59: {  	_ = 	snop;
	(pc) =	sbr.rel .LBB2_6-.Ltmp5, $1  }
0x5a: {  	_ =	sdelay $0x3  }
.LBB2_8:
0x5b: {  	_ =	sfence.sel $0x180000  }
0x5c: {  	s1 =	simm.s32 $0x2;
	[bflag:$0x0] =	sbarrier.arrive $0xFFFF  }
0x5d: {  	s30 =	simm.s32 $0x3;
	[sflag:s1] =	ssyncpa.u1 $0x1  }
0x5e: {  	s31 =	simm.s32 $0x1;
	[sflag:s30] =	ssyncpa.u1 $0x1  }
0x5f: {  	[sflag:s31] =	ssyncpa.u1 $0x1  }
0x60: {  	p0 =	sne.s32 s0, $0x0;
	_ =	strace $0x9000004A  }
0x61: {  	s0 =	sadd.s32 @!p0 $0x100000, s2;
	[bflag:$0x2] =	sbarrier.arrive $0xFFFF  }
0x62: {  	[sflag:s0] =	ssyncadd.tile.s32 @!p0 $0x1;
	_ =	shalt  }
.Lfunc_end2:
_tile_overlayer_lowered:
.L_overlay_start_2:
0x63: {  	(tag) =	ssettag $0x2  }
0x64: {  	s0 =	rddreg [dreg:$0x0];
	s2 =	stileid.u32  }
0x65: {  	s1 =	rddreg [dreg:$0x1];
	p0 =	sne.s32 s2, $0x0  }
0x66: {  	s3 =	rddreg [dreg:$0x2];
	[bflag:$0x3] =	sbarrier.arrive $0xFFFF;
	s2 =	simm.s32 @!p0 $0x1C01  }
0x67: {  	[timem:s3], [sflag:s2] =	dma.local @!p0 [hbm:s0], s1  }
0x68: {  	s0 =	simm.s32 @!p0 $0x1  }
0x69: {  	_ =	swait.ge @!p0 [sflag:s0], s1  }
0x6a: {  	s1 =	ssub.s32 @!p0 $0x0, s1;
	[sflag:s0] =	ssyncset.done @!p0 $0x0  }
0x6b: {  	[sflag:s0] =	ssyncadd.s32 @!p0 s1  }
0x6c: {  	[bflag:$0x3] =	sbarrier.arrive $0xFFFF  }
0x6d: {  	_ =	shalt  }

</sc_bundles>
